<compile_context>
chip_gen: v7x
topology: tpu7x:2x2x1
jax: 0.10.2.dev20260603
libtpu: 0.0.44.dev20260713+nightly
codegen_flags: <defaults>
</compile_context>

<pallas_src>
import functools

import jax
import jax.numpy as jnp
from jax import lax
from jax.experimental import pallas as pl
from jax.experimental.pallas import tpu as pltpu
from jax.experimental.pallas import tpu_sc as plsc

PLACEHOLDER = 9
B, L, D = 1024, 77, 768
TOKP = 128
LANES = 16
NC, NS = 2, 16
NW = NC * NS
RPW = B // NW
CPR = 80 // LANES
NCHUNK = RPW * CPR
MAXK = RPW * L
DH = D // 3
NCP = RPW * 3
RING = 4
GRP = 16


def _sc_body(tok_ref, emb_ref, text_ref, out_ref,
             tok_v, ubuf, cbuf, scr, in_sem, out_sem, g_sem, s_sem):
    w = lax.axis_index("s") * NC + lax.axis_index("c")
    b0 = w * RPW

    def in_cp(i):
        return pltpu.make_async_copy(
            emb_ref.at[b0 + i // 3, :, pl.ds((i % 3) * DH, DH)],
            cbuf.at[i % RING], in_sem.at[i % RING])

    def out_cp(i):
        return pltpu.make_async_copy(
            cbuf.at[i % RING],
            out_ref.at[b0 + i // 3, :, pl.ds((i % 3) * DH, DH)],
            out_sem.at[i % RING])

    for i in range(RING - 1):
        in_cp(i).start()

    pltpu.sync_copy(tok_ref.at[pl.ds(b0, RPW)], tok_v)

    iota = lax.iota(jnp.int32, LANES)

    def scan_body(t, carry):
        k_w, row_cnt = carry
        r = t // CPR
        c = t - r * CPR
        row_cnt = jnp.where(c == 0, 0, row_cnt)
        tok16 = plsc.load_gather(
            tok_v,
            [lax.broadcast(r, (LANES,)),
             lax.broadcast(c * LANES, (LANES,)) + iota])
        mask = tok16 == PLACEHOLDER
        csum = plsc.cumsum(mask.astype(jnp.int32))
        cnt = jnp.sum(mask.astype(jnp.int32))
        rank = lax.broadcast(row_cnt - 1, (LANES,)) + csum
        dpos = lax.broadcast(r * 128 + c * LANES, (LANES,)) + iota
        packed = dpos * 128 + rank
        gslot = lax.broadcast(k_w - 1, (LANES,)) + csum
        plsc.store_scatter(ubuf, [gslot], packed, mask=mask)
        return k_w + cnt, row_cnt + cnt

    k_w, _ = lax.fori_loop(0, NCHUNK, scan_body,
                           (jnp.int32(0), jnp.int32(0)))

    def pump(i, carry):
        @pl.when(i >= 1)
        def _():
            out_cp(i - 1).wait()

        @pl.when(i + RING - 1 < NCP)
        def _():
            in_cp(i + RING - 1).start()

        in_cp(i).wait()
        out_cp(i).start()
        return carry

    lax.fori_loop(0, NCP, pump, jnp.int32(0))
    out_cp(NCP - 1).wait()

    def extract(j):
        v16 = plsc.load_gather(ubuf, [lax.broadcast(j, (LANES,))])
        v = jnp.max(v16)
        sl = v & 127
        rest = v >> 7
        ln = rest & 127
        return b0 + (rest >> 7), ln, sl

    def group_body(m, carry):
        cnt = jnp.minimum(k_w - m * GRP, GRP)

        def gather_one(j, carry):
            b, ln, sl = extract(m * GRP + j)
            pltpu.make_async_copy(text_ref.at[b, sl], scr.at[j],
                                  g_sem).start()
            return carry

        def gdrain_one(j, carry):
            pltpu.make_async_copy(text_ref.at[b0, 0], scr.at[0],
                                  g_sem).wait()
            return carry

        def scatter_one(j, carry):
            b, ln, sl = extract(m * GRP + j)
            pltpu.make_async_copy(scr.at[j], out_ref.at[b, ln],
                                  s_sem).start()
            return carry

        def sdrain_one(j, carry):
            pltpu.make_async_copy(scr.at[0], out_ref.at[b0, 0],
                                  s_sem).wait()
            return carry

        lax.fori_loop(0, cnt, gather_one, jnp.int32(0))
        lax.fori_loop(0, cnt, gdrain_one, jnp.int32(0))
        lax.fori_loop(0, cnt, scatter_one, jnp.int32(0))
        lax.fori_loop(0, cnt, sdrain_one, jnp.int32(0))
        return carry

    lax.fori_loop(0, (k_w + GRP - 1) // GRP, group_body, jnp.int32(0))


@functools.partial(
    pl.kernel,
    out_type=jax.ShapeDtypeStruct((B, L, D), jnp.float32),
    mesh=plsc.VectorSubcoreMesh(core_axis_name="c", subcore_axis_name="s",
                                num_cores=NC, num_subcores=NS),
    compiler_params=pltpu.CompilerParams(needs_layout_passes=False,
                                         use_tc_tiling_on_sc=True),
    scratch_types=[
        pltpu.VMEM((RPW, TOKP), jnp.int32),
        pltpu.VMEM((MAXK,), jnp.int32),
        pltpu.VMEM((RING, L, DH), jnp.float32),
        pltpu.VMEM((GRP, D), jnp.float32),
        pltpu.SemaphoreType.DMA((RING,)),
        pltpu.SemaphoreType.DMA((RING,)),
        pltpu.SemaphoreType.DMA,
        pltpu.SemaphoreType.DMA,
    ],
)
def _sc_scatter_overwrite(tok_ref, emb_ref, text_ref, out_ref,
                          tok_v, ubuf, cbuf, scr,
                          in_sem, out_sem, g_sem, s_sem):
    _sc_body(tok_ref, emb_ref, text_ref, out_ref,
             tok_v, ubuf, cbuf, scr, in_sem, out_sem, g_sem, s_sem)


@jax.jit
def _run(tok_p, embedded_text, text_embs):
    return _sc_scatter_overwrite(tok_p, embedded_text, text_embs)


def kernel(tokenized_text, embedded_text, text_embs):
    tok_p = jnp.pad(tokenized_text, ((0, 0), (0, TOKP - L)),
                    constant_values=-1)
    return _run(tok_p, embedded_text, text_embs)

# --- scband reference (transcript-rebuilt; emitter-appended) ---
"""Pipeline reference for scband-embedding-manager-86698209837348 (READ-ONLY COPY).

The authoritative reference and input builder live on the scoring server;
editing this copy changes nothing except your own understanding.
"""

import jax, jax.numpy as jnp
import numpy as np

PLACEHOLDER_TOKEN = 9  # CLIP token id stand-in for placeholder_string '*'
B, L, D = 1024, 77, 768

def setup_inputs(seed: int = 0) -> dict:
    key = jax.random.key(seed)
    k1, k2, k3 = jax.random.split(key, 3)
    tokenized_text = jax.random.randint(k1, (B, L), 0, 64, dtype=jnp.int32)
    embedded_text = jax.random.normal(k2, (B, L, D), dtype=jnp.float32)
    # materialized self.text_embs_all state: per-batch bank of glyph-line embeddings,
    # padded to L lines so sum(idx) <= len(text_emb) always holds (no truncation branch)
    text_embs = jax.random.normal(k3, (B, L, D), dtype=jnp.float32)
    return {"tokenized_text": tokenized_text, "embedded_text": embedded_text, "text_embs": text_embs}

def reference(tokenized_text, embedded_text, text_embs):
    # for each row i: idx = tokenized_text[i] == placeholder_token
    # embedded_text[i][idx] = text_emb[:sum(idx)]  (sequential assignment in order)
    mask = tokenized_text == PLACEHOLDER_TOKEN                      # [B, L] bool
    # rank of each placeholder position among placeholders in its row
    rank = jnp.cumsum(mask.astype(jnp.int32), axis=1) - 1           # [B, L]
    rank = jnp.clip(rank, 0, text_embs.shape[1] - 1)
    gathered = jnp.take_along_axis(text_embs, rank[..., None], axis=1)  # [B, L, D]
    out = jnp.where(mask[..., None], gathered, embedded_text)
    return out

if __name__ == "__main__":
    import jax
    _d = setup_inputs()
    print(jax.jit(kernel)(*tuple(_d.values())))

</pallas_src>

<mosaic_0001>
#map = affine_map<(d0, d1) -> (0, 0)>
#map1 = affine_map<(d0, d1) -> (0, 0, 0)>
module attributes {stable_mosaic.version = 14 : i64} {
  func.func @_sc_scatter_overwrite(%arg0: i32, %arg1: i32, %arg2: memref<1024x128xi32, #tpu.memory_space<hbm>>, %arg3: memref<1024x77x768xf32, #tpu.memory_space<hbm>>, %arg4: memref<1024x77x768xf32, #tpu.memory_space<hbm>>, %arg5: memref<1024x77x768xf32, #tpu.memory_space<hbm>>, %arg6: memref<32x128xi32, #tpu.memory_space<vmem>>, %arg7: memref<2464xi32, #tpu.memory_space<vmem>>, %arg8: memref<4x77x256xf32, #tpu.memory_space<vmem>>, %arg9: memref<16x768xf32, #tpu.memory_space<vmem>>, %arg10: memref<4x!tpu.dma_semaphore, #tpu.memory_space<semaphore_mem>>, %arg11: memref<4x!tpu.dma_semaphore, #tpu.memory_space<semaphore_mem>>, %arg12: memref<!tpu.dma_semaphore, #tpu.memory_space<semaphore_mem>>, %arg13: memref<!tpu.dma_semaphore, #tpu.memory_space<semaphore_mem>>) attributes {dimension_semantics = [#tpu.dimension_semantics<core_parallel>, #tpu.dimension_semantics<subcore_parallel>], iteration_bounds = array<i64: 2, 16>, scalar_prefetch = 0 : i64, scratch_operands = 8 : i64, tpu.core_type = #tpu.core_type<sc_vector_subcore>, window_params = [{transform_indices = #map}, {transform_indices = #map1}, {transform_indices = #map1}, {transform_indices = #map1}]} {
    %mul3A = arith.constant 2 : i32
    %mul3A_0 = arith.muli %arg1, %mul3A : i32
    %add3A = arith.addi %mul3A_0, %arg0 : i32
    %mul3A_1 = arith.constant 32 : i32
    %mul3A_2 = arith.muli %add3A, %mul3A_1 : i32
    %add3A_3 = arith.constant 0 : i32
    %add3A_4 = arith.addi %mul3A_2, %add3A_3 : i32
    %dma_start3A = arith.constant 0 : i32
    %dma_start3A_5 = arith.constant 0 : i32
    %dma_start3A_6 = arith.constant 0 : i32
    %dma_start3A_7 = arith.constant 0 : i32
    %dma_start3A_8 = tpu.memref_slice %arg8[%dma_start3A, %dma_start3A_6, %dma_start3A_7] : memref<4x77x256xf32, #tpu.memory_space<vmem>> -> memref<1x77x256xf32, #tpu.memory_space<vmem>>
    %dma_start3A_9 = tpu.memref_squeeze %dma_start3A_8 : memref<1x77x256xf32, #tpu.memory_space<vmem>> -> memref<77x256xf32, #tpu.memory_space<vmem>>
    %dma_start3A_10 = arith.constant 0 : i32
    %dma_start3A_11 = arith.constant 0 : i32
    %dma_start3A_12 = tpu.memref_slice %arg3[%add3A_4, %dma_start3A_10, %dma_start3A_11] : memref<1024x77x768xf32, #tpu.memory_space<hbm>> -> memref<1x77x256xf32, #tpu.memory_space<hbm>>
    %dma_start3A_13 = tpu.memref_squeeze %dma_start3A_12 : memref<1x77x256xf32, #tpu.memory_space<hbm>> -> memref<77x256xf32, #tpu.memory_space<hbm>>
    %dma_start3A_14 = tpu.memref_slice %arg10[%dma_start3A_5] : memref<4x!tpu.dma_semaphore, #tpu.memory_space<semaphore_mem>> -> memref<1x!tpu.dma_semaphore, #tpu.memory_space<semaphore_mem>>
    %dma_start3A_15 = tpu.memref_squeeze %dma_start3A_14 : memref<1x!tpu.dma_semaphore, #tpu.memory_space<semaphore_mem>> -> memref<!tpu.dma_semaphore, #tpu.memory_space<semaphore_mem>>
    %dma_start3A_16 = arith.constant 0 : i32
    %dma_start3A_17 = arith.constant 0 : i32
    %dma_start3A_18 = tpu.memref_slice %arg8[%dma_start3A, %dma_start3A_16, %dma_start3A_17] : memref<4x77x256xf32, #tpu.memory_space<vmem>> -> memref<1x77x256xf32, #tpu.memory_space<vmem>>
    %dma_start3A_19 = tpu.memref_squeeze %dma_start3A_18 : memref<1x77x256xf32, #tpu.memory_space<vmem>> -> memref<77x256xf32, #tpu.memory_space<vmem>>
    %dma_start3A_20 = arith.constant 0 : i32
    %dma_start3A_21 = arith.constant 0 : i32
    %dma_start3A_22 = tpu.memref_slice %arg3[%add3A_4, %dma_start3A_20, %dma_start3A_21] : memref<1024x77x768xf32, #tpu.memory_space<hbm>> -> memref<1x77x256xf32, #tpu.memory_space<hbm>>
    %dma_start3A_23 = tpu.memref_squeeze %dma_start3A_22 : memref<1x77x256xf32, #tpu.memory_space<hbm>> -> memref<77x256xf32, #tpu.memory_space<hbm>>
    tpu.enqueue_dma source(%dma_start3A_23 : memref<77x256xf32, #tpu.memory_space<hbm>>) target(%dma_start3A_19 : memref<77x256xf32, #tpu.memory_space<vmem>>) target_semaphore(%dma_start3A_15 : memref<!tpu.dma_semaphore, #tpu.memory_space<semaphore_mem>>)
    %add3A_24 = arith.constant 0 : i32
    %add3A_25 = arith.addi %mul3A_2, %add3A_24 : i32
    %dma_start3A_26 = arith.constant 1 : i32
    %dma_start3A_27 = arith.constant 1 : i32
    %dma_start3A_28 = arith.constant 0 : i32
    %dma_start3A_29 = arith.constant 0 : i32
    %dma_start3A_30 = tpu.memref_slice %arg8[%dma_start3A_26, %dma_start3A_28, %dma_start3A_29] : memref<4x77x256xf32, #tpu.memory_space<vmem>> -> memref<1x77x256xf32, #tpu.memory_space<vmem>>
    %dma_start3A_31 = tpu.memref_squeeze %dma_start3A_30 : memref<1x77x256xf32, #tpu.memory_space<vmem>> -> memref<77x256xf32, #tpu.memory_space<vmem>>
    %dma_start3A_32 = arith.constant 0 : i32
    %dma_start3A_33 = arith.constant 256 : i32
    %dma_start3A_34 = tpu.memref_slice %arg3[%add3A_25, %dma_start3A_32, %dma_start3A_33] : memref<1024x77x768xf32, #tpu.memory_space<hbm>> -> memref<1x77x256xf32, #tpu.memory_space<hbm>>
    %dma_start3A_35 = tpu.memref_squeeze %dma_start3A_34 : memref<1x77x256xf32, #tpu.memory_space<hbm>> -> memref<77x256xf32, #tpu.memory_space<hbm>>
    %dma_start3A_36 = tpu.memref_slice %arg10[%dma_start3A_27] : memref<4x!tpu.dma_semaphore, #tpu.memory_space<semaphore_mem>> -> memref<1x!tpu.dma_semaphore, #tpu.memory_space<semaphore_mem>>
    %dma_start3A_37 = tpu.memref_squeeze %dma_start3A_36 : memref<1x!tpu.dma_semaphore, #tpu.memory_space<semaphore_mem>> -> memref<!tpu.dma_semaphore, #tpu.memory_space<semaphore_mem>>
    %dma_start3A_38 = arith.constant 0 : i32
    %dma_start3A_39 = arith.constant 0 : i32
    %dma_start3A_40 = tpu.memref_slice %arg8[%dma_start3A_26, %dma_start3A_38, %dma_start3A_39] : memref<4x77x256xf32, #tpu.memory_space<vmem>> -> memref<1x77x256xf32, #tpu.memory_space<vmem>>
    %dma_start3A_41 = tpu.memref_squeeze %dma_start3A_40 : memref<1x77x256xf32, #tpu.memory_space<vmem>> -> memref<77x256xf32, #tpu.memory_space<vmem>>
    %dma_start3A_42 = arith.constant 0 : i32
    %dma_start3A_43 = arith.constant 256 : i32
    %dma_start3A_44 = tpu.memref_slice %arg3[%add3A_25, %dma_start3A_42, %dma_start3A_43] : memref<1024x77x768xf32, #tpu.memory_space<hbm>> -> memref<1x77x256xf32, #tpu.memory_space<hbm>>
    %dma_start3A_45 = tpu.memref_squeeze %dma_start3A_44 : memref<1x77x256xf32, #tpu.memory_space<hbm>> -> memref<77x256xf32, #tpu.memory_space<hbm>>
    tpu.enqueue_dma source(%dma_start3A_45 : memref<77x256xf32, #tpu.memory_space<hbm>>) target(%dma_start3A_41 : memref<77x256xf32, #tpu.memory_space<vmem>>) target_semaphore(%dma_start3A_37 : memref<!tpu.dma_semaphore, #tpu.memory_space<semaphore_mem>>)
    %add3A_46 = arith.constant 0 : i32
    %add3A_47 = arith.addi %mul3A_2, %add3A_46 : i32
    %dma_start3A_48 = arith.constant 2 : i32
    %dma_start3A_49 = arith.constant 2 : i32
    %dma_start3A_50 = arith.constant 0 : i32
    %dma_start3A_51 = arith.constant 0 : i32
    %dma_start3A_52 = tpu.memref_slice %arg8[%dma_start3A_48, %dma_start3A_50, %dma_start3A_51] : memref<4x77x256xf32, #tpu.memory_space<vmem>> -> memref<1x77x256xf32, #tpu.memory_space<vmem>>
    %dma_start3A_53 = tpu.memref_squeeze %dma_start3A_52 : memref<1x77x256xf32, #tpu.memory_space<vmem>> -> memref<77x256xf32, #tpu.memory_space<vmem>>
    %dma_start3A_54 = arith.constant 0 : i32
    %dma_start3A_55 = arith.constant 512 : i32
    %dma_start3A_56 = tpu.memref_slice %arg3[%add3A_47, %dma_start3A_54, %dma_start3A_55] : memref<1024x77x768xf32, #tpu.memory_space<hbm>> -> memref<1x77x256xf32, #tpu.memory_space<hbm>>
    %dma_start3A_57 = tpu.memref_squeeze %dma_start3A_56 : memref<1x77x256xf32, #tpu.memory_space<hbm>> -> memref<77x256xf32, #tpu.memory_space<hbm>>
    %dma_start3A_58 = tpu.memref_slice %arg10[%dma_start3A_49] : memref<4x!tpu.dma_semaphore, #tpu.memory_space<semaphore_mem>> -> memref<1x!tpu.dma_semaphore, #tpu.memory_space<semaphore_mem>>
    %dma_start3A_59 = tpu.memref_squeeze %dma_start3A_58 : memref<1x!tpu.dma_semaphore, #tpu.memory_space<semaphore_mem>> -> memref<!tpu.dma_semaphore, #tpu.memory_space<semaphore_mem>>
    %dma_start3A_60 = arith.constant 0 : i32
    %dma_start3A_61 = arith.constant 0 : i32
    %dma_start3A_62 = tpu.memref_slice %arg8[%dma_start3A_48, %dma_start3A_60, %dma_start3A_61] : memref<4x77x256xf32, #tpu.memory_space<vmem>> -> memref<1x77x256xf32, #tpu.memory_space<vmem>>
    %dma_start3A_63 = tpu.memref_squeeze %dma_start3A_62 : memref<1x77x256xf32, #tpu.memory_space<vmem>> -> memref<77x256xf32, #tpu.memory_space<vmem>>
    %dma_start3A_64 = arith.constant 0 : i32
    %dma_start3A_65 = arith.constant 512 : i32
    %dma_start3A_66 = tpu.memref_slice %arg3[%add3A_47, %dma_start3A_64, %dma_start3A_65] : memref<1024x77x768xf32, #tpu.memory_space<hbm>> -> memref<1x77x256xf32, #tpu.memory_space<hbm>>
    %dma_start3A_67 = tpu.memref_squeeze %dma_start3A_66 : memref<1x77x256xf32, #tpu.memory_space<hbm>> -> memref<77x256xf32, #tpu.memory_space<hbm>>
    tpu.enqueue_dma source(%dma_start3A_67 : memref<77x256xf32, #tpu.memory_space<hbm>>) target(%dma_start3A_63 : memref<77x256xf32, #tpu.memory_space<vmem>>) target_semaphore(%dma_start3A_59 : memref<!tpu.dma_semaphore, #tpu.memory_space<semaphore_mem>>)
    "tpu.region"() ({
      %run_scoped3A = tpu.sem_alloc : memref<!tpu.dma_semaphore, #tpu.memory_space<semaphore_mem>>
      %dma_start3A_131 = arith.constant 0 : i32
      %dma_start3A_132 = tpu.memref_slice %arg2[%mul3A_2, %dma_start3A_131] : memref<1024x128xi32, #tpu.memory_space<hbm>> -> memref<32x128xi32, #tpu.memory_space<hbm>>
      %dma_start3A_133 = arith.constant 0 : i32
      %dma_start3A_134 = tpu.memref_slice %arg2[%mul3A_2, %dma_start3A_133] : memref<1024x128xi32, #tpu.memory_space<hbm>> -> memref<32x128xi32, #tpu.memory_space<hbm>>
      tpu.enqueue_dma source(%dma_start3A_134 : memref<32x128xi32, #tpu.memory_space<hbm>>) target(%arg6 : memref<32x128xi32, #tpu.memory_space<vmem>>) target_semaphore(%run_scoped3A : memref<!tpu.dma_semaphore, #tpu.memory_space<semaphore_mem>>)
      %dma_wait3A_135 = arith.constant 0 : i32
      %dma_wait3A_136 = tpu.memref_slice %arg2[%mul3A_2, %dma_wait3A_135] : memref<1024x128xi32, #tpu.memory_space<hbm>> -> memref<32x128xi32, #tpu.memory_space<hbm>>
      %dma_wait3A_137 = arith.constant 0 : i32
      %dma_wait3A_138 = tpu.memref_slice %arg2[%mul3A_2, %dma_wait3A_137] : memref<1024x128xi32, #tpu.memory_space<hbm>> -> memref<32x128xi32, #tpu.memory_space<hbm>>
      tpu.wait_dma2 semaphore(%run_scoped3A : memref<!tpu.dma_semaphore, #tpu.memory_space<semaphore_mem>>) src(%dma_wait3A_138 : memref<32x128xi32, #tpu.memory_space<hbm>>) dst(%arg6 : memref<32x128xi32, #tpu.memory_space<vmem>>)
      tpu.yield
    }) : () -> ()
    %iota3A = tpu.iota {dimensions = array<i32: 0>} : vector<16xi32>
    %scan3A = arith.constant 0 : i32
    %scan3A_68 = arith.constant 0 : i32
    %scan3A_69 = arith.constant 0 : i32
    %scan3A_70 = arith.constant 160 : i32
    %scan3A_71 = arith.addi %scan3A_69, %scan3A_70 : i32
    %scan3A_72 = arith.constant 1 : i32
    %scan3A_73:2 = scf.for %scan3A_131 = %scan3A_69 to %scan3A_71 step %scan3A_72 iter_args(%scan3A_132 = %scan3A, %scan3A_133 = %scan3A_68) -> (i32, i32)  : i32 {
      %jit3A_134 = arith.constant 5 : i32
      %div3A_135 = arith.divsi %scan3A_131, %jit3A_134 : i32
      %sign3A_136 = arith.constant 0 : i32
      %sign3A_137 = arith.cmpi sgt, %scan3A_131, %sign3A_136 : i32
      %sign3A_138 = arith.extui %sign3A_137 : i1 to i32
      %sign3A_139 = arith.constant 0 : i32
      %sign3A_140 = arith.cmpi slt, %scan3A_131, %sign3A_139 : i32
      %sign3A_141 = arith.extui %sign3A_140 : i1 to i32
      %sign3A_142 = arith.subi %sign3A_138, %sign3A_141 : i32
      %sign3A_143 = arith.constant 0 : i32
      %sign3A_144 = arith.cmpi sgt, %jit3A_134, %sign3A_143 : i32
      %sign3A_145 = arith.extui %sign3A_144 : i1 to i32
      %sign3A_146 = arith.constant 0 : i32
      %sign3A_147 = arith.cmpi slt, %jit3A_134, %sign3A_146 : i32
      %sign3A_148 = arith.extui %sign3A_147 : i1 to i32
      %sign3A_149 = arith.subi %sign3A_145, %sign3A_148 : i32
      %ne3A_150 = arith.cmpi ne, %sign3A_142, %sign3A_149 : i32
      %rem3A_151 = arith.remsi %scan3A_131, %jit3A_134 : i32
      %ne3A_152 = arith.constant 0 : i32
      %ne3A_153 = arith.cmpi ne, %rem3A_151, %ne3A_152 : i32
      %and3A_154 = arith.andi %ne3A_150, %ne3A_153 : i1
      %sub3A_155 = arith.constant 1 : i32
      %sub3A_156 = arith.subi %div3A_135, %sub3A_155 : i32
      %select_n3A_157 = arith.select %and3A_154, %sub3A_156, %div3A_135 : i32
      %mul3A_158 = arith.constant 5 : i32
      %mul3A_159 = arith.muli %select_n3A_157, %mul3A_158 : i32
      %sub3A_160 = arith.subi %scan3A_131, %mul3A_159 : i32
      %eq3A = arith.constant 0 : i32
      %eq3A_161 = arith.cmpi eq, %sub3A_160, %eq3A : i32
      %jit3A_162 = arith.constant 0 : i32
      %select_n3A_163 = arith.select %eq3A_161, %jit3A_162, %scan3A_133 : i32
      %broadcast_in_dim3A = vector.broadcast %select_n3A_157 : i32 to vector<16xi32>
      %mul3A_164 = arith.constant 16 : i32
      %mul3A_165 = arith.muli %sub3A_160, %mul3A_164 : i32
      %broadcast_in_dim3A_166 = vector.broadcast %mul3A_165 : i32 to vector<16xi32>
      %add3A_167 = arith.addi %broadcast_in_dim3A_166, %iota3A : vector<16xi32>
      %gather3A = tpu.vector_load_idx %arg6[%broadcast_in_dim3A, %add3A_167] : memref<32x128xi32, #tpu.memory_space<vmem>>[vector<16xi32>, vector<16xi32>], vector<16xi32>,
      %eq3A_168 = arith.constant 9 : i32
      %eq3A_169 = vector.broadcast %eq3A_168 : i32 to vector<16xi32>
      %eq3A_170 = arith.cmpi eq, %gather3A, %eq3A_169 : vector<16xi32>
      %convert_element_type3A = arith.extui %eq3A_170 : vector<16xi1> to vector<16xi32>
      %broadcast_in_dim3A_171 = arith.constant true
      %broadcast_in_dim3A_172 = vector.broadcast %broadcast_in_dim3A_171 : i1 to vector<16xi1>
      %masked_cumsum3A = tpu.scan <sum>, %convert_element_type3A masked %broadcast_in_dim3A_172 : vector<16xi32>, vector<16xi1> -> vector<16xi32>
      %convert_element_type3A_173 = arith.extui %eq3A_170 : vector<16xi1> to vector<16xi32>
      %reduce_sum3A = arith.constant true
      %reduce_sum3A_174 = vector.broadcast %reduce_sum3A : i1 to vector<16xi1>
      %reduce_sum3A_175 = tpu.scan <sum>, %convert_element_type3A_173 masked %reduce_sum3A_174 : vector<16xi32>, vector<16xi1> -> vector<16xi32>
      %reduce_sum3A_176 = vector.extract %reduce_sum3A_175[15] : i32 from vector<16xi32>
      %sub3A_177 = arith.constant 1 : i32
      %sub3A_178 = arith.subi %select_n3A_163, %sub3A_177 : i32
      %broadcast_in_dim3A_179 = vector.broadcast %sub3A_178 : i32 to vector<16xi32>
      %add3A_180 = arith.addi %broadcast_in_dim3A_179, %masked_cumsum3A : vector<16xi32>
      %mul3A_181 = arith.constant 128 : i32
      %mul3A_182 = arith.muli %select_n3A_157, %mul3A_181 : i32
      %mul3A_183 = arith.constant 16 : i32
      %mul3A_184 = arith.muli %sub3A_160, %mul3A_183 : i32
      %add3A_185 = arith.addi %mul3A_182, %mul3A_184 : i32
      %broadcast_in_dim3A_186 = vector.broadcast %add3A_185 : i32 to vector<16xi32>
      %add3A_187 = arith.addi %broadcast_in_dim3A_186, %iota3A : vector<16xi32>
      %mul3A_188 = arith.constant 128 : i32
      %mul3A_189 = vector.broadcast %mul3A_188 : i32 to vector<16xi32>
      %mul3A_190 = arith.muli %add3A_187, %mul3A_189 : vector<16xi32>
      %add3A_191 = arith.addi %mul3A_190, %add3A_180 : vector<16xi32>
      %sub3A_192 = arith.constant 1 : i32
      %sub3A_193 = arith.subi %scan3A_132, %sub3A_192 : i32
      %broadcast_in_dim3A_194 = vector.broadcast %sub3A_193 : i32 to vector<16xi32>
      %add3A_195 = arith.addi %broadcast_in_dim3A_194, %masked_cumsum3A : vector<16xi32>
      tpu.vector_store_idx %arg7[%add3A_195], %add3A_191 masked %eq3A_170 : memref<2464xi32, #tpu.memory_space<vmem>>[vector<16xi32>], vector<16xi32>, vector<16xi1>
      %add3A_196 = arith.addi %scan3A_132, %reduce_sum3A_176 : i32
      %add3A_197 = arith.addi %select_n3A_163, %reduce_sum3A_176 : i32
      scf.yield %add3A_196, %add3A_197 : i32, i32
    }
    %scan3A_74 = arith.constant 160 : i32
    %scan3A_75 = arith.constant 0 : i32
    %scan3A_76 = arith.constant 0 : i32
    %scan3A_77 = arith.constant 96 : i32
    %scan3A_78 = arith.addi %scan3A_76, %scan3A_77 : i32
    %scan3A_79 = arith.constant 1 : i32
    scf.for %scan3A_131 = %scan3A_76 to %scan3A_78 step %scan3A_79  : i32 {
      %ge3A = arith.constant 1 : i32
      %ge3A_132 = arith.cmpi sge, %scan3A_131, %ge3A : i32
      %convert_element_type3A = arith.extui %ge3A_132 : i1 to i32
      %cond3A = arith.constant 0 : i32
      %cond3A_133 = arith.cmpi ne, %convert_element_type3A, %cond3A : i32
      scf.if %cond3A_133 {
        %sub3A_323 = arith.constant 1 : i32
        %sub3A_324 = arith.subi %scan3A_131, %sub3A_323 : i32
        %jit3A_325 = arith.constant 4 : i32
        %eq3A_326 = arith.constant 0 : i32
        %eq3A_327 = arith.cmpi eq, %jit3A_325, %eq3A_326 : i32
        %jit3A_328 = arith.constant 1 : i32
        %select_n3A_329 = arith.select %eq3A_327, %jit3A_328, %jit3A_325 : i32
        %rem3A_330 = arith.remsi %sub3A_324, %select_n3A_329 : i32
        %ne3A_331 = arith.constant 0 : i32
        %ne3A_332 = arith.cmpi ne, %rem3A_330, %ne3A_331 : i32
        %lt3A_333 = arith.constant 0 : i32
        %lt3A_334 = arith.cmpi slt, %rem3A_330, %lt3A_333 : i32
        %lt3A_335 = arith.constant 0 : i32
        %lt3A_336 = arith.cmpi slt, %select_n3A_329, %lt3A_335 : i32
        %ne3A_337 = arith.xori %lt3A_334, %lt3A_336 : i1
        %and3A_338 = arith.andi %ne3A_337, %ne3A_332 : i1
        %add3A_339 = arith.addi %rem3A_330, %select_n3A_329 : i32
        %select_n3A_340 = arith.select %and3A_338, %add3A_339, %rem3A_330 : i32
        %jit3A_341 = arith.constant 3 : i32
        %div3A_342 = arith.divsi %sub3A_324, %jit3A_341 : i32
        %sign3A_343 = arith.constant 0 : i32
        %sign3A_344 = arith.cmpi sgt, %sub3A_324, %sign3A_343 : i32
        %sign3A_345 = arith.extui %sign3A_344 : i1 to i32
        %sign3A_346 = arith.constant 0 : i32
        %sign3A_347 = arith.cmpi slt, %sub3A_324, %sign3A_346 : i32
        %sign3A_348 = arith.extui %sign3A_347 : i1 to i32
        %sign3A_349 = arith.subi %sign3A_345, %sign3A_348 : i32
        %sign3A_350 = arith.constant 0 : i32
        %sign3A_351 = arith.cmpi sgt, %jit3A_341, %sign3A_350 : i32
        %sign3A_352 = arith.extui %sign3A_351 : i1 to i32
        %sign3A_353 = arith.constant 0 : i32
        %sign3A_354 = arith.cmpi slt, %jit3A_341, %sign3A_353 : i32
        %sign3A_355 = arith.extui %sign3A_354 : i1 to i32
        %sign3A_356 = arith.subi %sign3A_352, %sign3A_355 : i32
        %ne3A_357 = arith.cmpi ne, %sign3A_349, %sign3A_356 : i32
        %rem3A_358 = arith.remsi %sub3A_324, %jit3A_341 : i32
        %ne3A_359 = arith.constant 0 : i32
        %ne3A_360 = arith.cmpi ne, %rem3A_358, %ne3A_359 : i32
        %and3A_361 = arith.andi %ne3A_357, %ne3A_360 : i1
        %sub3A_362 = arith.constant 1 : i32
        %sub3A_363 = arith.subi %div3A_342, %sub3A_362 : i32
        %select_n3A_364 = arith.select %and3A_361, %sub3A_363, %div3A_342 : i32
        %add3A_365 = arith.addi %mul3A_2, %select_n3A_364 : i32
        %jit3A_366 = arith.constant 3 : i32
        %eq3A_367 = arith.constant 0 : i32
        %eq3A_368 = arith.cmpi eq, %jit3A_366, %eq3A_367 : i32
        %jit3A_369 = arith.constant 1 : i32
        %select_n3A_370 = arith.select %eq3A_368, %jit3A_369, %jit3A_366 : i32
        %rem3A_371 = arith.remsi %sub3A_324, %select_n3A_370 : i32
        %ne3A_372 = arith.constant 0 : i32
        %ne3A_373 = arith.cmpi ne, %rem3A_371, %ne3A_372 : i32
        %lt3A_374 = arith.constant 0 : i32
        %lt3A_375 = arith.cmpi slt, %rem3A_371, %lt3A_374 : i32
        %lt3A_376 = arith.constant 0 : i32
        %lt3A_377 = arith.cmpi slt, %select_n3A_370, %lt3A_376 : i32
        %ne3A_378 = arith.xori %lt3A_375, %lt3A_377 : i1
        %and3A_379 = arith.andi %ne3A_378, %ne3A_373 : i1
        %add3A_380 = arith.addi %rem3A_371, %select_n3A_370 : i32
        %select_n3A_381 = arith.select %and3A_379, %add3A_380, %rem3A_371 : i32
        %mul3A_382 = arith.constant 256 : i32
        %mul3A_383 = arith.muli %select_n3A_381, %mul3A_382 : i32
        %jit3A_384 = arith.constant 4 : i32
        %eq3A_385 = arith.constant 0 : i32
        %eq3A_386 = arith.cmpi eq, %jit3A_384, %eq3A_385 : i32
        %jit3A_387 = arith.constant 1 : i32
        %select_n3A_388 = arith.select %eq3A_386, %jit3A_387, %jit3A_384 : i32
        %rem3A_389 = arith.remsi %sub3A_324, %select_n3A_388 : i32
        %ne3A_390 = arith.constant 0 : i32
        %ne3A_391 = arith.cmpi ne, %rem3A_389, %ne3A_390 : i32
        %lt3A_392 = arith.constant 0 : i32
        %lt3A_393 = arith.cmpi slt, %rem3A_389, %lt3A_392 : i32
        %lt3A_394 = arith.constant 0 : i32
        %lt3A_395 = arith.cmpi slt, %select_n3A_388, %lt3A_394 : i32
        %ne3A_396 = arith.xori %lt3A_393, %lt3A_395 : i1
        %and3A_397 = arith.andi %ne3A_396, %ne3A_391 : i1
        %add3A_398 = arith.addi %rem3A_389, %select_n3A_388 : i32
        %select_n3A_399 = arith.select %and3A_397, %add3A_398, %rem3A_389 : i32
        %dma_wait3A_400 = arith.constant 0 : i32
        %dma_wait3A_401 = arith.constant 0 : i32
        %dma_wait3A_402 = tpu.memref_slice %arg8[%select_n3A_340, %dma_wait3A_400, %dma_wait3A_401] : memref<4x77x256xf32, #tpu.memory_space<vmem>> -> memref<1x77x256xf32, #tpu.memory_space<vmem>>
        %dma_wait3A_403 = tpu.memref_squeeze %dma_wait3A_402 : memref<1x77x256xf32, #tpu.memory_space<vmem>> -> memref<77x256xf32, #tpu.memory_space<vmem>>
        %dma_wait3A_404 = arith.constant 0 : i32
        %dma_wait3A_405 = tpu.memref_slice %arg5[%add3A_365, %dma_wait3A_404, %mul3A_383] : memref<1024x77x768xf32, #tpu.memory_space<hbm>> -> memref<1x77x256xf32, #tpu.memory_space<hbm>>
        %dma_wait3A_406 = tpu.memref_squeeze %dma_wait3A_405 : memref<1x77x256xf32, #tpu.memory_space<hbm>> -> memref<77x256xf32, #tpu.memory_space<hbm>>
        %dma_wait3A_407 = tpu.memref_slice %arg11[%select_n3A_399] : memref<4x!tpu.dma_semaphore, #tpu.memory_space<semaphore_mem>> -> memref<1x!tpu.dma_semaphore, #tpu.memory_space<semaphore_mem>>
        %dma_wait3A_408 = tpu.memref_squeeze %dma_wait3A_407 : memref<1x!tpu.dma_semaphore, #tpu.memory_space<semaphore_mem>> -> memref<!tpu.dma_semaphore, #tpu.memory_space<semaphore_mem>>
        %dma_wait3A_409 = arith.constant 0 : i32
        %dma_wait3A_410 = tpu.memref_slice %arg5[%add3A_365, %dma_wait3A_409, %mul3A_383] : memref<1024x77x768xf32, #tpu.memory_space<hbm>> -> memref<1x77x256xf32, #tpu.memory_space<hbm>>
        %dma_wait3A_411 = tpu.memref_squeeze %dma_wait3A_410 : memref<1x77x256xf32, #tpu.memory_space<hbm>> -> memref<77x256xf32, #tpu.memory_space<hbm>>
        %dma_wait3A_412 = arith.constant 0 : i32
        %dma_wait3A_413 = arith.constant 0 : i32
        %dma_wait3A_414 = tpu.memref_slice %arg8[%select_n3A_340, %dma_wait3A_412, %dma_wait3A_413] : memref<4x77x256xf32, #tpu.memory_space<vmem>> -> memref<1x77x256xf32, #tpu.memory_space<vmem>>
        %dma_wait3A_415 = tpu.memref_squeeze %dma_wait3A_414 : memref<1x77x256xf32, #tpu.memory_space<vmem>> -> memref<77x256xf32, #tpu.memory_space<vmem>>
        tpu.wait_dma2 semaphore(%dma_wait3A_408 : memref<!tpu.dma_semaphore, #tpu.memory_space<semaphore_mem>>) src(%dma_wait3A_415 : memref<77x256xf32, #tpu.memory_space<vmem>>) dst(%dma_wait3A_411 : memref<77x256xf32, #tpu.memory_space<hbm>>)
      } else {
      }
      %add3A_134 = arith.constant 4 : i32
      %add3A_135 = arith.addi %scan3A_131, %add3A_134 : i32
      %sub3A_136 = arith.constant 1 : i32
      %sub3A_137 = arith.subi %add3A_135, %sub3A_136 : i32
      %lt3A = arith.constant 96 : i32
      %lt3A_138 = arith.cmpi slt, %sub3A_137, %lt3A : i32
      %convert_element_type3A_139 = arith.extui %lt3A_138 : i1 to i32
      %cond3A_140 = arith.constant 0 : i32
      %cond3A_141 = arith.cmpi ne, %convert_element_type3A_139, %cond3A_140 : i32
      scf.if %cond3A_141 {
        %add3A_323 = arith.constant 4 : i32
        %add3A_324 = arith.addi %scan3A_131, %add3A_323 : i32
        %sub3A_325 = arith.constant 1 : i32
        %sub3A_326 = arith.subi %add3A_324, %sub3A_325 : i32
        %jit3A_327 = arith.constant 3 : i32
        %div3A_328 = arith.divsi %sub3A_326, %jit3A_327 : i32
        %sign3A_329 = arith.constant 0 : i32
        %sign3A_330 = arith.cmpi sgt, %sub3A_326, %sign3A_329 : i32
        %sign3A_331 = arith.extui %sign3A_330 : i1 to i32
        %sign3A_332 = arith.constant 0 : i32
        %sign3A_333 = arith.cmpi slt, %sub3A_326, %sign3A_332 : i32
        %sign3A_334 = arith.extui %sign3A_333 : i1 to i32
        %sign3A_335 = arith.subi %sign3A_331, %sign3A_334 : i32
        %sign3A_336 = arith.constant 0 : i32
        %sign3A_337 = arith.cmpi sgt, %jit3A_327, %sign3A_336 : i32
        %sign3A_338 = arith.extui %sign3A_337 : i1 to i32
        %sign3A_339 = arith.constant 0 : i32
        %sign3A_340 = arith.cmpi slt, %jit3A_327, %sign3A_339 : i32
        %sign3A_341 = arith.extui %sign3A_340 : i1 to i32
        %sign3A_342 = arith.subi %sign3A_338, %sign3A_341 : i32
        %ne3A_343 = arith.cmpi ne, %sign3A_335, %sign3A_342 : i32
        %rem3A_344 = arith.remsi %sub3A_326, %jit3A_327 : i32
        %ne3A_345 = arith.constant 0 : i32
        %ne3A_346 = arith.cmpi ne, %rem3A_344, %ne3A_345 : i32
        %and3A_347 = arith.andi %ne3A_343, %ne3A_346 : i1
        %sub3A_348 = arith.constant 1 : i32
        %sub3A_349 = arith.subi %div3A_328, %sub3A_348 : i32
        %select_n3A_350 = arith.select %and3A_347, %sub3A_349, %div3A_328 : i32
        %add3A_351 = arith.addi %mul3A_2, %select_n3A_350 : i32
        %jit3A_352 = arith.constant 3 : i32
        %eq3A_353 = arith.constant 0 : i32
        %eq3A_354 = arith.cmpi eq, %jit3A_352, %eq3A_353 : i32
        %jit3A_355 = arith.constant 1 : i32
        %select_n3A_356 = arith.select %eq3A_354, %jit3A_355, %jit3A_352 : i32
        %rem3A_357 = arith.remsi %sub3A_326, %select_n3A_356 : i32
        %ne3A_358 = arith.constant 0 : i32
        %ne3A_359 = arith.cmpi ne, %rem3A_357, %ne3A_358 : i32
        %lt3A_360 = arith.constant 0 : i32
        %lt3A_361 = arith.cmpi slt, %rem3A_357, %lt3A_360 : i32
        %lt3A_362 = arith.constant 0 : i32
        %lt3A_363 = arith.cmpi slt, %select_n3A_356, %lt3A_362 : i32
        %ne3A_364 = arith.xori %lt3A_361, %lt3A_363 : i1
        %and3A_365 = arith.andi %ne3A_364, %ne3A_359 : i1
        %add3A_366 = arith.addi %rem3A_357, %select_n3A_356 : i32
        %select_n3A_367 = arith.select %and3A_365, %add3A_366, %rem3A_357 : i32
        %mul3A_368 = arith.constant 256 : i32
        %mul3A_369 = arith.muli %select_n3A_367, %mul3A_368 : i32
        %jit3A_370 = arith.constant 4 : i32
        %eq3A_371 = arith.constant 0 : i32
        %eq3A_372 = arith.cmpi eq, %jit3A_370, %eq3A_371 : i32
        %jit3A_373 = arith.constant 1 : i32
        %select_n3A_374 = arith.select %eq3A_372, %jit3A_373, %jit3A_370 : i32
        %rem3A_375 = arith.remsi %sub3A_326, %select_n3A_374 : i32
        %ne3A_376 = arith.constant 0 : i32
        %ne3A_377 = arith.cmpi ne, %rem3A_375, %ne3A_376 : i32
        %lt3A_378 = arith.constant 0 : i32
        %lt3A_379 = arith.cmpi slt, %rem3A_375, %lt3A_378 : i32
        %lt3A_380 = arith.constant 0 : i32
        %lt3A_381 = arith.cmpi slt, %select_n3A_374, %lt3A_380 : i32
        %ne3A_382 = arith.xori %lt3A_379, %lt3A_381 : i1
        %and3A_383 = arith.andi %ne3A_382, %ne3A_377 : i1
        %add3A_384 = arith.addi %rem3A_375, %select_n3A_374 : i32
        %select_n3A_385 = arith.select %and3A_383, %add3A_384, %rem3A_375 : i32
        %jit3A_386 = arith.constant 4 : i32
        %eq3A_387 = arith.constant 0 : i32
        %eq3A_388 = arith.cmpi eq, %jit3A_386, %eq3A_387 : i32
        %jit3A_389 = arith.constant 1 : i32
        %select_n3A_390 = arith.select %eq3A_388, %jit3A_389, %jit3A_386 : i32
        %rem3A_391 = arith.remsi %sub3A_326, %select_n3A_390 : i32
        %ne3A_392 = arith.constant 0 : i32
        %ne3A_393 = arith.cmpi ne, %rem3A_391, %ne3A_392 : i32
        %lt3A_394 = arith.constant 0 : i32
        %lt3A_395 = arith.cmpi slt, %rem3A_391, %lt3A_394 : i32
        %lt3A_396 = arith.constant 0 : i32
        %lt3A_397 = arith.cmpi slt, %select_n3A_390, %lt3A_396 : i32
        %ne3A_398 = arith.xori %lt3A_395, %lt3A_397 : i1
        %and3A_399 = arith.andi %ne3A_398, %ne3A_393 : i1
        %add3A_400 = arith.addi %rem3A_391, %select_n3A_390 : i32
        %select_n3A_401 = arith.select %and3A_399, %add3A_400, %rem3A_391 : i32
        %dma_start3A_402 = arith.constant 0 : i32
        %dma_start3A_403 = arith.constant 0 : i32
        %dma_start3A_404 = tpu.memref_slice %arg8[%select_n3A_385, %dma_start3A_402, %dma_start3A_403] : memref<4x77x256xf32, #tpu.memory_space<vmem>> -> memref<1x77x256xf32, #tpu.memory_space<vmem>>
        %dma_start3A_405 = tpu.memref_squeeze %dma_start3A_404 : memref<1x77x256xf32, #tpu.memory_space<vmem>> -> memref<77x256xf32, #tpu.memory_space<vmem>>
        %dma_start3A_406 = arith.constant 0 : i32
        %dma_start3A_407 = tpu.memref_slice %arg3[%add3A_351, %dma_start3A_406, %mul3A_369] : memref<1024x77x768xf32, #tpu.memory_space<hbm>> -> memref<1x77x256xf32, #tpu.memory_space<hbm>>
        %dma_start3A_408 = tpu.memref_squeeze %dma_start3A_407 : memref<1x77x256xf32, #tpu.memory_space<hbm>> -> memref<77x256xf32, #tpu.memory_space<hbm>>
        %dma_start3A_409 = tpu.memref_slice %arg10[%select_n3A_401] : memref<4x!tpu.dma_semaphore, #tpu.memory_space<semaphore_mem>> -> memref<1x!tpu.dma_semaphore, #tpu.memory_space<semaphore_mem>>
        %dma_start3A_410 = tpu.memref_squeeze %dma_start3A_409 : memref<1x!tpu.dma_semaphore, #tpu.memory_space<semaphore_mem>> -> memref<!tpu.dma_semaphore, #tpu.memory_space<semaphore_mem>>
        %dma_start3A_411 = arith.constant 0 : i32
        %dma_start3A_412 = arith.constant 0 : i32
        %dma_start3A_413 = tpu.memref_slice %arg8[%select_n3A_385, %dma_start3A_411, %dma_start3A_412] : memref<4x77x256xf32, #tpu.memory_space<vmem>> -> memref<1x77x256xf32, #tpu.memory_space<vmem>>
        %dma_start3A_414 = tpu.memref_squeeze %dma_start3A_413 : memref<1x77x256xf32, #tpu.memory_space<vmem>> -> memref<77x256xf32, #tpu.memory_space<vmem>>
        %dma_start3A_415 = arith.constant 0 : i32
        %dma_start3A_416 = tpu.memref_slice %arg3[%add3A_351, %dma_start3A_415, %mul3A_369] : memref<1024x77x768xf32, #tpu.memory_space<hbm>> -> memref<1x77x256xf32, #tpu.memory_space<hbm>>
        %dma_start3A_417 = tpu.memref_squeeze %dma_start3A_416 : memref<1x77x256xf32, #tpu.memory_space<hbm>> -> memref<77x256xf32, #tpu.memory_space<hbm>>
        tpu.enqueue_dma source(%dma_start3A_417 : memref<77x256xf32, #tpu.memory_space<hbm>>) target(%dma_start3A_414 : memref<77x256xf32, #tpu.memory_space<vmem>>) target_semaphore(%dma_start3A_410 : memref<!tpu.dma_semaphore, #tpu.memory_space<semaphore_mem>>)
      } else {
      }
      %jit3A_142 = arith.constant 3 : i32
      %div3A_143 = arith.divsi %scan3A_131, %jit3A_142 : i32
      %sign3A_144 = arith.constant 0 : i32
      %sign3A_145 = arith.cmpi sgt, %scan3A_131, %sign3A_144 : i32
      %sign3A_146 = arith.extui %sign3A_145 : i1 to i32
      %sign3A_147 = arith.constant 0 : i32
      %sign3A_148 = arith.cmpi slt, %scan3A_131, %sign3A_147 : i32
      %sign3A_149 = arith.extui %sign3A_148 : i1 to i32
      %sign3A_150 = arith.subi %sign3A_146, %sign3A_149 : i32
      %sign3A_151 = arith.constant 0 : i32
      %sign3A_152 = arith.cmpi sgt, %jit3A_142, %sign3A_151 : i32
      %sign3A_153 = arith.extui %sign3A_152 : i1 to i32
      %sign3A_154 = arith.constant 0 : i32
      %sign3A_155 = arith.cmpi slt, %jit3A_142, %sign3A_154 : i32
      %sign3A_156 = arith.extui %sign3A_155 : i1 to i32
      %sign3A_157 = arith.subi %sign3A_153, %sign3A_156 : i32
      %ne3A_158 = arith.cmpi ne, %sign3A_150, %sign3A_157 : i32
      %rem3A_159 = arith.remsi %scan3A_131, %jit3A_142 : i32
      %ne3A_160 = arith.constant 0 : i32
      %ne3A_161 = arith.cmpi ne, %rem3A_159, %ne3A_160 : i32
      %and3A_162 = arith.andi %ne3A_158, %ne3A_161 : i1
      %sub3A_163 = arith.constant 1 : i32
      %sub3A_164 = arith.subi %div3A_143, %sub3A_163 : i32
      %select_n3A_165 = arith.select %and3A_162, %sub3A_164, %div3A_143 : i32
      %add3A_166 = arith.addi %mul3A_2, %select_n3A_165 : i32
      %jit3A_167 = arith.constant 3 : i32
      %eq3A = arith.constant 0 : i32
      %eq3A_168 = arith.cmpi eq, %jit3A_167, %eq3A : i32
      %jit3A_169 = arith.constant 1 : i32
      %select_n3A_170 = arith.select %eq3A_168, %jit3A_169, %jit3A_167 : i32
      %rem3A_171 = arith.remsi %scan3A_131, %select_n3A_170 : i32
      %ne3A_172 = arith.constant 0 : i32
      %ne3A_173 = arith.cmpi ne, %rem3A_171, %ne3A_172 : i32
      %lt3A_174 = arith.constant 0 : i32
      %lt3A_175 = arith.cmpi slt, %rem3A_171, %lt3A_174 : i32
      %lt3A_176 = arith.constant 0 : i32
      %lt3A_177 = arith.cmpi slt, %select_n3A_170, %lt3A_176 : i32
      %ne3A_178 = arith.xori %lt3A_175, %lt3A_177 : i1
      %and3A_179 = arith.andi %ne3A_178, %ne3A_173 : i1
      %add3A_180 = arith.addi %rem3A_171, %select_n3A_170 : i32
      %select_n3A_181 = arith.select %and3A_179, %add3A_180, %rem3A_171 : i32
      %mul3A_182 = arith.constant 256 : i32
      %mul3A_183 = arith.muli %select_n3A_181, %mul3A_182 : i32
      %jit3A_184 = arith.constant 4 : i32
      %eq3A_185 = arith.constant 0 : i32
      %eq3A_186 = arith.cmpi eq, %jit3A_184, %eq3A_185 : i32
      %jit3A_187 = arith.constant 1 : i32
      %select_n3A_188 = arith.select %eq3A_186, %jit3A_187, %jit3A_184 : i32
      %rem3A_189 = arith.remsi %scan3A_131, %select_n3A_188 : i32
      %ne3A_190 = arith.constant 0 : i32
      %ne3A_191 = arith.cmpi ne, %rem3A_189, %ne3A_190 : i32
      %lt3A_192 = arith.constant 0 : i32
      %lt3A_193 = arith.cmpi slt, %rem3A_189, %lt3A_192 : i32
      %lt3A_194 = arith.constant 0 : i32
      %lt3A_195 = arith.cmpi slt, %select_n3A_188, %lt3A_194 : i32
      %ne3A_196 = arith.xori %lt3A_193, %lt3A_195 : i1
      %and3A_197 = arith.andi %ne3A_196, %ne3A_191 : i1
      %add3A_198 = arith.addi %rem3A_189, %select_n3A_188 : i32
      %select_n3A_199 = arith.select %and3A_197, %add3A_198, %rem3A_189 : i32
      %jit3A_200 = arith.constant 4 : i32
      %eq3A_201 = arith.constant 0 : i32
      %eq3A_202 = arith.cmpi eq, %jit3A_200, %eq3A_201 : i32
      %jit3A_203 = arith.constant 1 : i32
      %select_n3A_204 = arith.select %eq3A_202, %jit3A_203, %jit3A_200 : i32
      %rem3A_205 = arith.remsi %scan3A_131, %select_n3A_204 : i32
      %ne3A_206 = arith.constant 0 : i32
      %ne3A_207 = arith.cmpi ne, %rem3A_205, %ne3A_206 : i32
      %lt3A_208 = arith.constant 0 : i32
      %lt3A_209 = arith.cmpi slt, %rem3A_205, %lt3A_208 : i32
      %lt3A_210 = arith.constant 0 : i32
      %lt3A_211 = arith.cmpi slt, %select_n3A_204, %lt3A_210 : i32
      %ne3A_212 = arith.xori %lt3A_209, %lt3A_211 : i1
      %and3A_213 = arith.andi %ne3A_212, %ne3A_207 : i1
      %add3A_214 = arith.addi %rem3A_205, %select_n3A_204 : i32
      %select_n3A_215 = arith.select %and3A_213, %add3A_214, %rem3A_205 : i32
      %dma_wait3A_216 = arith.constant 0 : i32
      %dma_wait3A_217 = arith.constant 0 : i32
      %dma_wait3A_218 = tpu.memref_slice %arg8[%select_n3A_199, %dma_wait3A_216, %dma_wait3A_217] : memref<4x77x256xf32, #tpu.memory_space<vmem>> -> memref<1x77x256xf32, #tpu.memory_space<vmem>>
      %dma_wait3A_219 = tpu.memref_squeeze %dma_wait3A_218 : memref<1x77x256xf32, #tpu.memory_space<vmem>> -> memref<77x256xf32, #tpu.memory_space<vmem>>
      %dma_wait3A_220 = arith.constant 0 : i32
      %dma_wait3A_221 = tpu.memref_slice %arg3[%add3A_166, %dma_wait3A_220, %mul3A_183] : memref<1024x77x768xf32, #tpu.memory_space<hbm>> -> memref<1x77x256xf32, #tpu.memory_space<hbm>>
      %dma_wait3A_222 = tpu.memref_squeeze %dma_wait3A_221 : memref<1x77x256xf32, #tpu.memory_space<hbm>> -> memref<77x256xf32, #tpu.memory_space<hbm>>
      %dma_wait3A_223 = tpu.memref_slice %arg10[%select_n3A_215] : memref<4x!tpu.dma_semaphore, #tpu.memory_space<semaphore_mem>> -> memref<1x!tpu.dma_semaphore, #tpu.memory_space<semaphore_mem>>
      %dma_wait3A_224 = tpu.memref_squeeze %dma_wait3A_223 : memref<1x!tpu.dma_semaphore, #tpu.memory_space<semaphore_mem>> -> memref<!tpu.dma_semaphore, #tpu.memory_space<semaphore_mem>>
      %dma_wait3A_225 = arith.constant 0 : i32
      %dma_wait3A_226 = arith.constant 0 : i32
      %dma_wait3A_227 = tpu.memref_slice %arg8[%select_n3A_199, %dma_wait3A_225, %dma_wait3A_226] : memref<4x77x256xf32, #tpu.memory_space<vmem>> -> memref<1x77x256xf32, #tpu.memory_space<vmem>>
      %dma_wait3A_228 = tpu.memref_squeeze %dma_wait3A_227 : memref<1x77x256xf32, #tpu.memory_space<vmem>> -> memref<77x256xf32, #tpu.memory_space<vmem>>
      %dma_wait3A_229 = arith.constant 0 : i32
      %dma_wait3A_230 = tpu.memref_slice %arg3[%add3A_166, %dma_wait3A_229, %mul3A_183] : memref<1024x77x768xf32, #tpu.memory_space<hbm>> -> memref<1x77x256xf32, #tpu.memory_space<hbm>>
      %dma_wait3A_231 = tpu.memref_squeeze %dma_wait3A_230 : memref<1x77x256xf32, #tpu.memory_space<hbm>> -> memref<77x256xf32, #tpu.memory_space<hbm>>
      tpu.wait_dma2 semaphore(%dma_wait3A_224 : memref<!tpu.dma_semaphore, #tpu.memory_space<semaphore_mem>>) src(%dma_wait3A_231 : memref<77x256xf32, #tpu.memory_space<hbm>>) dst(%dma_wait3A_228 : memref<77x256xf32, #tpu.memory_space<vmem>>)
      %jit3A_232 = arith.constant 4 : i32
      %eq3A_233 = arith.constant 0 : i32
      %eq3A_234 = arith.cmpi eq, %jit3A_232, %eq3A_233 : i32
      %jit3A_235 = arith.constant 1 : i32
      %select_n3A_236 = arith.select %eq3A_234, %jit3A_235, %jit3A_232 : i32
      %rem3A_237 = arith.remsi %scan3A_131, %select_n3A_236 : i32
      %ne3A_238 = arith.constant 0 : i32
      %ne3A_239 = arith.cmpi ne, %rem3A_237, %ne3A_238 : i32
      %lt3A_240 = arith.constant 0 : i32
      %lt3A_241 = arith.cmpi slt, %rem3A_237, %lt3A_240 : i32
      %lt3A_242 = arith.constant 0 : i32
      %lt3A_243 = arith.cmpi slt, %select_n3A_236, %lt3A_242 : i32
      %ne3A_244 = arith.xori %lt3A_241, %lt3A_243 : i1
      %and3A_245 = arith.andi %ne3A_244, %ne3A_239 : i1
      %add3A_246 = arith.addi %rem3A_237, %select_n3A_236 : i32
      %select_n3A_247 = arith.select %and3A_245, %add3A_246, %rem3A_237 : i32
      %jit3A_248 = arith.constant 3 : i32
      %div3A_249 = arith.divsi %scan3A_131, %jit3A_248 : i32
      %sign3A_250 = arith.constant 0 : i32
      %sign3A_251 = arith.cmpi sgt, %scan3A_131, %sign3A_250 : i32
      %sign3A_252 = arith.extui %sign3A_251 : i1 to i32
      %sign3A_253 = arith.constant 0 : i32
      %sign3A_254 = arith.cmpi slt, %scan3A_131, %sign3A_253 : i32
      %sign3A_255 = arith.extui %sign3A_254 : i1 to i32
      %sign3A_256 = arith.subi %sign3A_252, %sign3A_255 : i32
      %sign3A_257 = arith.constant 0 : i32
      %sign3A_258 = arith.cmpi sgt, %jit3A_248, %sign3A_257 : i32
      %sign3A_259 = arith.extui %sign3A_258 : i1 to i32
      %sign3A_260 = arith.constant 0 : i32
      %sign3A_261 = arith.cmpi slt, %jit3A_248, %sign3A_260 : i32
      %sign3A_262 = arith.extui %sign3A_261 : i1 to i32
      %sign3A_263 = arith.subi %sign3A_259, %sign3A_262 : i32
      %ne3A_264 = arith.cmpi ne, %sign3A_256, %sign3A_263 : i32
      %rem3A_265 = arith.remsi %scan3A_131, %jit3A_248 : i32
      %ne3A_266 = arith.constant 0 : i32
      %ne3A_267 = arith.cmpi ne, %rem3A_265, %ne3A_266 : i32
      %and3A_268 = arith.andi %ne3A_264, %ne3A_267 : i1
      %sub3A_269 = arith.constant 1 : i32
      %sub3A_270 = arith.subi %div3A_249, %sub3A_269 : i32
      %select_n3A_271 = arith.select %and3A_268, %sub3A_270, %div3A_249 : i32
      %add3A_272 = arith.addi %mul3A_2, %select_n3A_271 : i32
      %jit3A_273 = arith.constant 3 : i32
      %eq3A_274 = arith.constant 0 : i32
      %eq3A_275 = arith.cmpi eq, %jit3A_273, %eq3A_274 : i32
      %jit3A_276 = arith.constant 1 : i32
      %select_n3A_277 = arith.select %eq3A_275, %jit3A_276, %jit3A_273 : i32
      %rem3A_278 = arith.remsi %scan3A_131, %select_n3A_277 : i32
      %ne3A_279 = arith.constant 0 : i32
      %ne3A_280 = arith.cmpi ne, %rem3A_278, %ne3A_279 : i32
      %lt3A_281 = arith.constant 0 : i32
      %lt3A_282 = arith.cmpi slt, %rem3A_278, %lt3A_281 : i32
      %lt3A_283 = arith.constant 0 : i32
      %lt3A_284 = arith.cmpi slt, %select_n3A_277, %lt3A_283 : i32
      %ne3A_285 = arith.xori %lt3A_282, %lt3A_284 : i1
      %and3A_286 = arith.andi %ne3A_285, %ne3A_280 : i1
      %add3A_287 = arith.addi %rem3A_278, %select_n3A_277 : i32
      %select_n3A_288 = arith.select %and3A_286, %add3A_287, %rem3A_278 : i32
      %mul3A_289 = arith.constant 256 : i32
      %mul3A_290 = arith.muli %select_n3A_288, %mul3A_289 : i32
      %jit3A_291 = arith.constant 4 : i32
      %eq3A_292 = arith.constant 0 : i32
      %eq3A_293 = arith.cmpi eq, %jit3A_291, %eq3A_292 : i32
      %jit3A_294 = arith.constant 1 : i32
      %select_n3A_295 = arith.select %eq3A_293, %jit3A_294, %jit3A_291 : i32
      %rem3A_296 = arith.remsi %scan3A_131, %select_n3A_295 : i32
      %ne3A_297 = arith.constant 0 : i32
      %ne3A_298 = arith.cmpi ne, %rem3A_296, %ne3A_297 : i32
      %lt3A_299 = arith.constant 0 : i32
      %lt3A_300 = arith.cmpi slt, %rem3A_296, %lt3A_299 : i32
      %lt3A_301 = arith.constant 0 : i32
      %lt3A_302 = arith.cmpi slt, %select_n3A_295, %lt3A_301 : i32
      %ne3A_303 = arith.xori %lt3A_300, %lt3A_302 : i1
      %and3A_304 = arith.andi %ne3A_303, %ne3A_298 : i1
      %add3A_305 = arith.addi %rem3A_296, %select_n3A_295 : i32
      %select_n3A_306 = arith.select %and3A_304, %add3A_305, %rem3A_296 : i32
      %dma_start3A_307 = arith.constant 0 : i32
      %dma_start3A_308 = arith.constant 0 : i32
      %dma_start3A_309 = tpu.memref_slice %arg8[%select_n3A_247, %dma_start3A_307, %dma_start3A_308] : memref<4x77x256xf32, #tpu.memory_space<vmem>> -> memref<1x77x256xf32, #tpu.memory_space<vmem>>
      %dma_start3A_310 = tpu.memref_squeeze %dma_start3A_309 : memref<1x77x256xf32, #tpu.memory_space<vmem>> -> memref<77x256xf32, #tpu.memory_space<vmem>>
      %dma_start3A_311 = arith.constant 0 : i32
      %dma_start3A_312 = tpu.memref_slice %arg5[%add3A_272, %dma_start3A_311, %mul3A_290] : memref<1024x77x768xf32, #tpu.memory_space<hbm>> -> memref<1x77x256xf32, #tpu.memory_space<hbm>>
      %dma_start3A_313 = tpu.memref_squeeze %dma_start3A_312 : memref<1x77x256xf32, #tpu.memory_space<hbm>> -> memref<77x256xf32, #tpu.memory_space<hbm>>
      %dma_start3A_314 = tpu.memref_slice %arg11[%select_n3A_306] : memref<4x!tpu.dma_semaphore, #tpu.memory_space<semaphore_mem>> -> memref<1x!tpu.dma_semaphore, #tpu.memory_space<semaphore_mem>>
      %dma_start3A_315 = tpu.memref_squeeze %dma_start3A_314 : memref<1x!tpu.dma_semaphore, #tpu.memory_space<semaphore_mem>> -> memref<!tpu.dma_semaphore, #tpu.memory_space<semaphore_mem>>
      %dma_start3A_316 = arith.constant 0 : i32
      %dma_start3A_317 = tpu.memref_slice %arg5[%add3A_272, %dma_start3A_316, %mul3A_290] : memref<1024x77x768xf32, #tpu.memory_space<hbm>> -> memref<1x77x256xf32, #tpu.memory_space<hbm>>
      %dma_start3A_318 = tpu.memref_squeeze %dma_start3A_317 : memref<1x77x256xf32, #tpu.memory_space<hbm>> -> memref<77x256xf32, #tpu.memory_space<hbm>>
      %dma_start3A_319 = arith.constant 0 : i32
      %dma_start3A_320 = arith.constant 0 : i32
      %dma_start3A_321 = tpu.memref_slice %arg8[%select_n3A_247, %dma_start3A_319, %dma_start3A_320] : memref<4x77x256xf32, #tpu.memory_space<vmem>> -> memref<1x77x256xf32, #tpu.memory_space<vmem>>
      %dma_start3A_322 = tpu.memref_squeeze %dma_start3A_321 : memref<1x77x256xf32, #tpu.memory_space<vmem>> -> memref<77x256xf32, #tpu.memory_space<vmem>>
      tpu.enqueue_dma source(%dma_start3A_322 : memref<77x256xf32, #tpu.memory_space<vmem>>) target(%dma_start3A_318 : memref<77x256xf32, #tpu.memory_space<hbm>>) target_semaphore(%dma_start3A_315 : memref<!tpu.dma_semaphore, #tpu.memory_space<semaphore_mem>>)
    }
    %scan3A_80 = arith.constant 96 : i32
    %add3A_81 = arith.constant 31 : i32
    %add3A_82 = arith.addi %mul3A_2, %add3A_81 : i32
    %dma_wait3A = arith.constant 3 : i32
    %dma_wait3A_83 = arith.constant 3 : i32
    %dma_wait3A_84 = arith.constant 0 : i32
    %dma_wait3A_85 = arith.constant 0 : i32
    %dma_wait3A_86 = tpu.memref_slice %arg8[%dma_wait3A, %dma_wait3A_84, %dma_wait3A_85] : memref<4x77x256xf32, #tpu.memory_space<vmem>> -> memref<1x77x256xf32, #tpu.memory_space<vmem>>
    %dma_wait3A_87 = tpu.memref_squeeze %dma_wait3A_86 : memref<1x77x256xf32, #tpu.memory_space<vmem>> -> memref<77x256xf32, #tpu.memory_space<vmem>>
    %dma_wait3A_88 = arith.constant 0 : i32
    %dma_wait3A_89 = arith.constant 512 : i32
    %dma_wait3A_90 = tpu.memref_slice %arg5[%add3A_82, %dma_wait3A_88, %dma_wait3A_89] : memref<1024x77x768xf32, #tpu.memory_space<hbm>> -> memref<1x77x256xf32, #tpu.memory_space<hbm>>
    %dma_wait3A_91 = tpu.memref_squeeze %dma_wait3A_90 : memref<1x77x256xf32, #tpu.memory_space<hbm>> -> memref<77x256xf32, #tpu.memory_space<hbm>>
    %dma_wait3A_92 = tpu.memref_slice %arg11[%dma_wait3A_83] : memref<4x!tpu.dma_semaphore, #tpu.memory_space<semaphore_mem>> -> memref<1x!tpu.dma_semaphore, #tpu.memory_space<semaphore_mem>>
    %dma_wait3A_93 = tpu.memref_squeeze %dma_wait3A_92 : memref<1x!tpu.dma_semaphore, #tpu.memory_space<semaphore_mem>> -> memref<!tpu.dma_semaphore, #tpu.memory_space<semaphore_mem>>
    %dma_wait3A_94 = arith.constant 0 : i32
    %dma_wait3A_95 = arith.constant 512 : i32
    %dma_wait3A_96 = tpu.memref_slice %arg5[%add3A_82, %dma_wait3A_94, %dma_wait3A_95] : memref<1024x77x768xf32, #tpu.memory_space<hbm>> -> memref<1x77x256xf32, #tpu.memory_space<hbm>>
    %dma_wait3A_97 = tpu.memref_squeeze %dma_wait3A_96 : memref<1x77x256xf32, #tpu.memory_space<hbm>> -> memref<77x256xf32, #tpu.memory_space<hbm>>
    %dma_wait3A_98 = arith.constant 0 : i32
    %dma_wait3A_99 = arith.constant 0 : i32
    %dma_wait3A_100 = tpu.memref_slice %arg8[%dma_wait3A, %dma_wait3A_98, %dma_wait3A_99] : memref<4x77x256xf32, #tpu.memory_space<vmem>> -> memref<1x77x256xf32, #tpu.memory_space<vmem>>
    %dma_wait3A_101 = tpu.memref_squeeze %dma_wait3A_100 : memref<1x77x256xf32, #tpu.memory_space<vmem>> -> memref<77x256xf32, #tpu.memory_space<vmem>>
    tpu.wait_dma2 semaphore(%dma_wait3A_93 : memref<!tpu.dma_semaphore, #tpu.memory_space<semaphore_mem>>) src(%dma_wait3A_101 : memref<77x256xf32, #tpu.memory_space<vmem>>) dst(%dma_wait3A_97 : memref<77x256xf32, #tpu.memory_space<hbm>>)
    %add3A_102 = arith.constant 16 : i32
    %add3A_103 = arith.addi %scan3A_73#0, %add3A_102 : i32
    %sub3A = arith.constant 1 : i32
    %sub3A_104 = arith.subi %add3A_103, %sub3A : i32
    %jit3A = arith.constant 16 : i32
    %div3A = arith.divsi %sub3A_104, %jit3A : i32
    %sign3A = arith.constant 0 : i32
    %sign3A_105 = arith.cmpi sgt, %sub3A_104, %sign3A : i32
    %sign3A_106 = arith.extui %sign3A_105 : i1 to i32
    %sign3A_107 = arith.constant 0 : i32
    %sign3A_108 = arith.cmpi slt, %sub3A_104, %sign3A_107 : i32
    %sign3A_109 = arith.extui %sign3A_108 : i1 to i32
    %sign3A_110 = arith.subi %sign3A_106, %sign3A_109 : i32
    %sign3A_111 = arith.constant 0 : i32
    %sign3A_112 = arith.cmpi sgt, %jit3A, %sign3A_111 : i32
    %sign3A_113 = arith.extui %sign3A_112 : i1 to i32
    %sign3A_114 = arith.constant 0 : i32
    %sign3A_115 = arith.cmpi slt, %jit3A, %sign3A_114 : i32
    %sign3A_116 = arith.extui %sign3A_115 : i1 to i32
    %sign3A_117 = arith.subi %sign3A_113, %sign3A_116 : i32
    %ne3A = arith.cmpi ne, %sign3A_110, %sign3A_117 : i32
    %rem3A = arith.remsi %sub3A_104, %jit3A : i32
    %ne3A_118 = arith.constant 0 : i32
    %ne3A_119 = arith.cmpi ne, %rem3A, %ne3A_118 : i32
    %and3A = arith.andi %ne3A, %ne3A_119 : i1
    %sub3A_120 = arith.constant 1 : i32
    %sub3A_121 = arith.subi %div3A, %sub3A_120 : i32
    %select_n3A = arith.select %and3A, %sub3A_121, %div3A : i32
    %while3A = arith.constant 0 : i32
    %while3A_122 = arith.constant 0 : i32
    %while3A_123 = arith.subi %select_n3A, %while3A_122 : i32
    %while3A_124 = arith.addi %while3A_122, %while3A_123 : i32
    %while3A_125 = arith.constant 1 : i32
    %while3A_126 = arith.divsi %while3A_123, %while3A_125 : i32
    %while3A_127 = arith.muli %while3A_126, %while3A_125 : i32
    %while3A_128 = arith.addi %while3A_122, %while3A_127 : i32
    %while3A_129 = arith.constant 1 : i32
    scf.for %while3A_131 = %while3A_122 to %while3A_128 step %while3A_129  : i32 {
      %mul3A_132 = arith.constant 16 : i32
      %mul3A_133 = arith.muli %while3A_131, %mul3A_132 : i32
      %sub3A_134 = arith.subi %scan3A_73#0, %mul3A_133 : i32
      %min3A = arith.constant 16 : i32
      %min3A_135 = arith.minsi %sub3A_134, %min3A : i32
      %while3A_136 = arith.constant 0 : i32
      %while3A_137 = arith.constant 0 : i32
      %while3A_138 = arith.subi %min3A_135, %while3A_137 : i32
      %while3A_139 = arith.addi %while3A_137, %while3A_138 : i32
      %while3A_140 = arith.constant 1 : i32
      %while3A_141 = arith.divsi %while3A_138, %while3A_140 : i32
      %while3A_142 = arith.muli %while3A_141, %while3A_140 : i32
      %while3A_143 = arith.addi %while3A_137, %while3A_142 : i32
      %while3A_144 = arith.constant 1 : i32
      scf.for %while3A_176 = %while3A_137 to %while3A_143 step %while3A_144  : i32 {
        %mul3A_177 = arith.constant 16 : i32
        %mul3A_178 = arith.muli %while3A_131, %mul3A_177 : i32
        %add3A_179 = arith.addi %mul3A_178, %while3A_176 : i32
        %broadcast_in_dim3A = vector.broadcast %add3A_179 : i32 to vector<16xi32>
        %gather3A = tpu.vector_load_idx %arg7[%broadcast_in_dim3A] : memref<2464xi32, #tpu.memory_space<vmem>>[vector<16xi32>], vector<16xi32>,
        %reduce_max3A = arith.constant true
        %reduce_max3A_180 = vector.broadcast %reduce_max3A : i1 to vector<16xi1>
        %reduce_max3A_181 = arith.constant -2147483648 : i32
        %reduce_max3A_182 = vector.broadcast %reduce_max3A_181 : i32 to vector<16xi32>
        %reduce_max3A_183 = arith.xori %gather3A, %reduce_max3A_182 : vector<16xi32>
        %reduce_max3A_184 = tpu.scan <max>, %reduce_max3A_183 masked %reduce_max3A_180 : vector<16xi32>, vector<16xi1> -> vector<16xi32>
        %reduce_max3A_185 = arith.xori %reduce_max3A_184, %reduce_max3A_182 : vector<16xi32>
        %reduce_max3A_186 = vector.extract %reduce_max3A_185[15] : i32 from vector<16xi32>
        %and3A_187 = arith.constant 127 : i32
        %and3A_188 = arith.andi %reduce_max3A_186, %and3A_187 : i32
        %shift_right_arithmetic3A = arith.constant 7 : i32
        %shift_right_arithmetic3A_189 = arith.shrsi %reduce_max3A_186, %shift_right_arithmetic3A : i32
        %and3A_190 = arith.constant 127 : i32
        %and3A_191 = arith.andi %shift_right_arithmetic3A_189, %and3A_190 : i32
        %shift_right_arithmetic3A_192 = arith.constant 7 : i32
        %shift_right_arithmetic3A_193 = arith.shrsi %shift_right_arithmetic3A_189, %shift_right_arithmetic3A_192 : i32
        %add3A_194 = arith.addi %mul3A_2, %shift_right_arithmetic3A_193 : i32
        %dma_start3A_195 = arith.constant 0 : i32
        %dma_start3A_196 = tpu.memref_slice %arg9[%while3A_176, %dma_start3A_195] : memref<16x768xf32, #tpu.memory_space<vmem>> -> memref<1x768xf32, #tpu.memory_space<vmem>>
        %dma_start3A_197 = tpu.memref_squeeze %dma_start3A_196 : memref<1x768xf32, #tpu.memory_space<vmem>> -> memref<768xf32, #tpu.memory_space<vmem>>
        %dma_start3A_198 = arith.constant 0 : i32
        %dma_start3A_199 = tpu.memref_slice %arg4[%add3A_194, %and3A_188, %dma_start3A_198] : memref<1024x77x768xf32, #tpu.memory_space<hbm>> -> memref<1x1x768xf32, #tpu.memory_space<hbm>>
        %dma_start3A_200 = tpu.memref_squeeze %dma_start3A_199 : memref<1x1x768xf32, #tpu.memory_space<hbm>> -> memref<768xf32, #tpu.memory_space<hbm>>
        %dma_start3A_201 = arith.constant 0 : i32
        %dma_start3A_202 = tpu.memref_slice %arg9[%while3A_176, %dma_start3A_201] : memref<16x768xf32, #tpu.memory_space<vmem>> -> memref<1x768xf32, #tpu.memory_space<vmem>>
        %dma_start3A_203 = tpu.memref_squeeze %dma_start3A_202 : memref<1x768xf32, #tpu.memory_space<vmem>> -> memref<768xf32, #tpu.memory_space<vmem>>
        %dma_start3A_204 = arith.constant 0 : i32
        %dma_start3A_205 = tpu.memref_slice %arg4[%add3A_194, %and3A_188, %dma_start3A_204] : memref<1024x77x768xf32, #tpu.memory_space<hbm>> -> memref<1x1x768xf32, #tpu.memory_space<hbm>>
        %dma_start3A_206 = tpu.memref_squeeze %dma_start3A_205 : memref<1x1x768xf32, #tpu.memory_space<hbm>> -> memref<768xf32, #tpu.memory_space<hbm>>
        tpu.enqueue_dma source(%dma_start3A_206 : memref<768xf32, #tpu.memory_space<hbm>>) target(%dma_start3A_203 : memref<768xf32, #tpu.memory_space<vmem>>) target_semaphore(%arg12 : memref<!tpu.dma_semaphore, #tpu.memory_space<semaphore_mem>>)
      }
      %while3A_145 = arith.constant 1 : i32
      scf.for %while3A_176 = %while3A_143 to %while3A_139 step %while3A_145  : i32 {
        %mul3A_177 = arith.constant 16 : i32
        %mul3A_178 = arith.muli %while3A_131, %mul3A_177 : i32
        %add3A_179 = arith.addi %mul3A_178, %while3A_176 : i32
        %broadcast_in_dim3A = vector.broadcast %add3A_179 : i32 to vector<16xi32>
        %gather3A = tpu.vector_load_idx %arg7[%broadcast_in_dim3A] : memref<2464xi32, #tpu.memory_space<vmem>>[vector<16xi32>], vector<16xi32>,
        %reduce_max3A = arith.constant true
        %reduce_max3A_180 = vector.broadcast %reduce_max3A : i1 to vector<16xi1>
        %reduce_max3A_181 = arith.constant -2147483648 : i32
        %reduce_max3A_182 = vector.broadcast %reduce_max3A_181 : i32 to vector<16xi32>
        %reduce_max3A_183 = arith.xori %gather3A, %reduce_max3A_182 : vector<16xi32>
        %reduce_max3A_184 = tpu.scan <max>, %reduce_max3A_183 masked %reduce_max3A_180 : vector<16xi32>, vector<16xi1> -> vector<16xi32>
        %reduce_max3A_185 = arith.xori %reduce_max3A_184, %reduce_max3A_182 : vector<16xi32>
        %reduce_max3A_186 = vector.extract %reduce_max3A_185[15] : i32 from vector<16xi32>
        %and3A_187 = arith.constant 127 : i32
        %and3A_188 = arith.andi %reduce_max3A_186, %and3A_187 : i32
        %shift_right_arithmetic3A = arith.constant 7 : i32
        %shift_right_arithmetic3A_189 = arith.shrsi %reduce_max3A_186, %shift_right_arithmetic3A : i32
        %and3A_190 = arith.constant 127 : i32
        %and3A_191 = arith.andi %shift_right_arithmetic3A_189, %and3A_190 : i32
        %shift_right_arithmetic3A_192 = arith.constant 7 : i32
        %shift_right_arithmetic3A_193 = arith.shrsi %shift_right_arithmetic3A_189, %shift_right_arithmetic3A_192 : i32
        %add3A_194 = arith.addi %mul3A_2, %shift_right_arithmetic3A_193 : i32
        %dma_start3A_195 = arith.constant 0 : i32
        %dma_start3A_196 = tpu.memref_slice %arg9[%while3A_176, %dma_start3A_195] : memref<16x768xf32, #tpu.memory_space<vmem>> -> memref<1x768xf32, #tpu.memory_space<vmem>>
        %dma_start3A_197 = tpu.memref_squeeze %dma_start3A_196 : memref<1x768xf32, #tpu.memory_space<vmem>> -> memref<768xf32, #tpu.memory_space<vmem>>
        %dma_start3A_198 = arith.constant 0 : i32
        %dma_start3A_199 = tpu.memref_slice %arg4[%add3A_194, %and3A_188, %dma_start3A_198] : memref<1024x77x768xf32, #tpu.memory_space<hbm>> -> memref<1x1x768xf32, #tpu.memory_space<hbm>>
        %dma_start3A_200 = tpu.memref_squeeze %dma_start3A_199 : memref<1x1x768xf32, #tpu.memory_space<hbm>> -> memref<768xf32, #tpu.memory_space<hbm>>
        %dma_start3A_201 = arith.constant 0 : i32
        %dma_start3A_202 = tpu.memref_slice %arg9[%while3A_176, %dma_start3A_201] : memref<16x768xf32, #tpu.memory_space<vmem>> -> memref<1x768xf32, #tpu.memory_space<vmem>>
        %dma_start3A_203 = tpu.memref_squeeze %dma_start3A_202 : memref<1x768xf32, #tpu.memory_space<vmem>> -> memref<768xf32, #tpu.memory_space<vmem>>
        %dma_start3A_204 = arith.constant 0 : i32
        %dma_start3A_205 = tpu.memref_slice %arg4[%add3A_194, %and3A_188, %dma_start3A_204] : memref<1024x77x768xf32, #tpu.memory_space<hbm>> -> memref<1x1x768xf32, #tpu.memory_space<hbm>>
        %dma_start3A_206 = tpu.memref_squeeze %dma_start3A_205 : memref<1x1x768xf32, #tpu.memory_space<hbm>> -> memref<768xf32, #tpu.memory_space<hbm>>
        tpu.enqueue_dma source(%dma_start3A_206 : memref<768xf32, #tpu.memory_space<hbm>>) target(%dma_start3A_203 : memref<768xf32, #tpu.memory_space<vmem>>) target_semaphore(%arg12 : memref<!tpu.dma_semaphore, #tpu.memory_space<semaphore_mem>>)
      }
      %while3A_146 = arith.constant 0 : i32
      %while3A_147 = arith.constant 0 : i32
      %while3A_148 = arith.subi %min3A_135, %while3A_147 : i32
      %while3A_149 = arith.addi %while3A_147, %while3A_148 : i32
      %while3A_150 = arith.constant 1 : i32
      %while3A_151 = arith.divsi %while3A_148, %while3A_150 : i32
      %while3A_152 = arith.muli %while3A_151, %while3A_150 : i32
      %while3A_153 = arith.addi %while3A_147, %while3A_152 : i32
      %while3A_154 = arith.constant 1 : i32
      scf.for %while3A_176 = %while3A_147 to %while3A_153 step %while3A_154  : i32 {
        %dma_wait3A_177 = arith.constant 0 : i32
        %dma_wait3A_178 = arith.constant 0 : i32
        %dma_wait3A_179 = arith.constant 0 : i32
        %dma_wait3A_180 = tpu.memref_slice %arg9[%dma_wait3A_178, %dma_wait3A_179] : memref<16x768xf32, #tpu.memory_space<vmem>> -> memref<1x768xf32, #tpu.memory_space<vmem>>
        %dma_wait3A_181 = tpu.memref_squeeze %dma_wait3A_180 : memref<1x768xf32, #tpu.memory_space<vmem>> -> memref<768xf32, #tpu.memory_space<vmem>>
        %dma_wait3A_182 = arith.constant 0 : i32
        %dma_wait3A_183 = tpu.memref_slice %arg4[%mul3A_2, %dma_wait3A_177, %dma_wait3A_182] : memref<1024x77x768xf32, #tpu.memory_space<hbm>> -> memref<1x1x768xf32, #tpu.memory_space<hbm>>
        %dma_wait3A_184 = tpu.memref_squeeze %dma_wait3A_183 : memref<1x1x768xf32, #tpu.memory_space<hbm>> -> memref<768xf32, #tpu.memory_space<hbm>>
        %dma_wait3A_185 = arith.constant 0 : i32
        %dma_wait3A_186 = tpu.memref_slice %arg9[%dma_wait3A_178, %dma_wait3A_185] : memref<16x768xf32, #tpu.memory_space<vmem>> -> memref<1x768xf32, #tpu.memory_space<vmem>>
        %dma_wait3A_187 = tpu.memref_squeeze %dma_wait3A_186 : memref<1x768xf32, #tpu.memory_space<vmem>> -> memref<768xf32, #tpu.memory_space<vmem>>
        %dma_wait3A_188 = arith.constant 0 : i32
        %dma_wait3A_189 = tpu.memref_slice %arg4[%mul3A_2, %dma_wait3A_177, %dma_wait3A_188] : memref<1024x77x768xf32, #tpu.memory_space<hbm>> -> memref<1x1x768xf32, #tpu.memory_space<hbm>>
        %dma_wait3A_190 = tpu.memref_squeeze %dma_wait3A_189 : memref<1x1x768xf32, #tpu.memory_space<hbm>> -> memref<768xf32, #tpu.memory_space<hbm>>
        tpu.wait_dma2 semaphore(%arg12 : memref<!tpu.dma_semaphore, #tpu.memory_space<semaphore_mem>>) src(%dma_wait3A_190 : memref<768xf32, #tpu.memory_space<hbm>>) dst(%dma_wait3A_187 : memref<768xf32, #tpu.memory_space<vmem>>)
      }
      %while3A_155 = arith.constant 1 : i32
      scf.for %while3A_176 = %while3A_153 to %while3A_149 step %while3A_155  : i32 {
        %dma_wait3A_177 = arith.constant 0 : i32
        %dma_wait3A_178 = arith.constant 0 : i32
        %dma_wait3A_179 = arith.constant 0 : i32
        %dma_wait3A_180 = tpu.memref_slice %arg9[%dma_wait3A_178, %dma_wait3A_179] : memref<16x768xf32, #tpu.memory_space<vmem>> -> memref<1x768xf32, #tpu.memory_space<vmem>>
        %dma_wait3A_181 = tpu.memref_squeeze %dma_wait3A_180 : memref<1x768xf32, #tpu.memory_space<vmem>> -> memref<768xf32, #tpu.memory_space<vmem>>
        %dma_wait3A_182 = arith.constant 0 : i32
        %dma_wait3A_183 = tpu.memref_slice %arg4[%mul3A_2, %dma_wait3A_177, %dma_wait3A_182] : memref<1024x77x768xf32, #tpu.memory_space<hbm>> -> memref<1x1x768xf32, #tpu.memory_space<hbm>>
        %dma_wait3A_184 = tpu.memref_squeeze %dma_wait3A_183 : memref<1x1x768xf32, #tpu.memory_space<hbm>> -> memref<768xf32, #tpu.memory_space<hbm>>
        %dma_wait3A_185 = arith.constant 0 : i32
        %dma_wait3A_186 = tpu.memref_slice %arg9[%dma_wait3A_178, %dma_wait3A_185] : memref<16x768xf32, #tpu.memory_space<vmem>> -> memref<1x768xf32, #tpu.memory_space<vmem>>
        %dma_wait3A_187 = tpu.memref_squeeze %dma_wait3A_186 : memref<1x768xf32, #tpu.memory_space<vmem>> -> memref<768xf32, #tpu.memory_space<vmem>>
        %dma_wait3A_188 = arith.constant 0 : i32
        %dma_wait3A_189 = tpu.memref_slice %arg4[%mul3A_2, %dma_wait3A_177, %dma_wait3A_188] : memref<1024x77x768xf32, #tpu.memory_space<hbm>> -> memref<1x1x768xf32, #tpu.memory_space<hbm>>
        %dma_wait3A_190 = tpu.memref_squeeze %dma_wait3A_189 : memref<1x1x768xf32, #tpu.memory_space<hbm>> -> memref<768xf32, #tpu.memory_space<hbm>>
        tpu.wait_dma2 semaphore(%arg12 : memref<!tpu.dma_semaphore, #tpu.memory_space<semaphore_mem>>) src(%dma_wait3A_190 : memref<768xf32, #tpu.memory_space<hbm>>) dst(%dma_wait3A_187 : memref<768xf32, #tpu.memory_space<vmem>>)
      }
      %while3A_156 = arith.constant 0 : i32
      %while3A_157 = arith.constant 0 : i32
      %while3A_158 = arith.subi %min3A_135, %while3A_157 : i32
      %while3A_159 = arith.addi %while3A_157, %while3A_158 : i32
      %while3A_160 = arith.constant 1 : i32
      %while3A_161 = arith.divsi %while3A_158, %while3A_160 : i32
      %while3A_162 = arith.muli %while3A_161, %while3A_160 : i32
      %while3A_163 = arith.addi %while3A_157, %while3A_162 : i32
      %while3A_164 = arith.constant 1 : i32
      scf.for %while3A_176 = %while3A_157 to %while3A_163 step %while3A_164  : i32 {
        %mul3A_177 = arith.constant 16 : i32
        %mul3A_178 = arith.muli %while3A_131, %mul3A_177 : i32
        %add3A_179 = arith.addi %mul3A_178, %while3A_176 : i32
        %broadcast_in_dim3A = vector.broadcast %add3A_179 : i32 to vector<16xi32>
        %gather3A = tpu.vector_load_idx %arg7[%broadcast_in_dim3A] : memref<2464xi32, #tpu.memory_space<vmem>>[vector<16xi32>], vector<16xi32>,
        %reduce_max3A = arith.constant true
        %reduce_max3A_180 = vector.broadcast %reduce_max3A : i1 to vector<16xi1>
        %reduce_max3A_181 = arith.constant -2147483648 : i32
        %reduce_max3A_182 = vector.broadcast %reduce_max3A_181 : i32 to vector<16xi32>
        %reduce_max3A_183 = arith.xori %gather3A, %reduce_max3A_182 : vector<16xi32>
        %reduce_max3A_184 = tpu.scan <max>, %reduce_max3A_183 masked %reduce_max3A_180 : vector<16xi32>, vector<16xi1> -> vector<16xi32>
        %reduce_max3A_185 = arith.xori %reduce_max3A_184, %reduce_max3A_182 : vector<16xi32>
        %reduce_max3A_186 = vector.extract %reduce_max3A_185[15] : i32 from vector<16xi32>
        %and3A_187 = arith.constant 127 : i32
        %and3A_188 = arith.andi %reduce_max3A_186, %and3A_187 : i32
        %shift_right_arithmetic3A = arith.constant 7 : i32
        %shift_right_arithmetic3A_189 = arith.shrsi %reduce_max3A_186, %shift_right_arithmetic3A : i32
        %and3A_190 = arith.constant 127 : i32
        %and3A_191 = arith.andi %shift_right_arithmetic3A_189, %and3A_190 : i32
        %shift_right_arithmetic3A_192 = arith.constant 7 : i32
        %shift_right_arithmetic3A_193 = arith.shrsi %shift_right_arithmetic3A_189, %shift_right_arithmetic3A_192 : i32
        %add3A_194 = arith.addi %mul3A_2, %shift_right_arithmetic3A_193 : i32
        %dma_start3A_195 = arith.constant 0 : i32
        %dma_start3A_196 = tpu.memref_slice %arg9[%while3A_176, %dma_start3A_195] : memref<16x768xf32, #tpu.memory_space<vmem>> -> memref<1x768xf32, #tpu.memory_space<vmem>>
        %dma_start3A_197 = tpu.memref_squeeze %dma_start3A_196 : memref<1x768xf32, #tpu.memory_space<vmem>> -> memref<768xf32, #tpu.memory_space<vmem>>
        %dma_start3A_198 = arith.constant 0 : i32
        %dma_start3A_199 = tpu.memref_slice %arg5[%add3A_194, %and3A_191, %dma_start3A_198] : memref<1024x77x768xf32, #tpu.memory_space<hbm>> -> memref<1x1x768xf32, #tpu.memory_space<hbm>>
        %dma_start3A_200 = tpu.memref_squeeze %dma_start3A_199 : memref<1x1x768xf32, #tpu.memory_space<hbm>> -> memref<768xf32, #tpu.memory_space<hbm>>
        %dma_start3A_201 = arith.constant 0 : i32
        %dma_start3A_202 = tpu.memref_slice %arg5[%add3A_194, %and3A_191, %dma_start3A_201] : memref<1024x77x768xf32, #tpu.memory_space<hbm>> -> memref<1x1x768xf32, #tpu.memory_space<hbm>>
        %dma_start3A_203 = tpu.memref_squeeze %dma_start3A_202 : memref<1x1x768xf32, #tpu.memory_space<hbm>> -> memref<768xf32, #tpu.memory_space<hbm>>
        %dma_start3A_204 = arith.constant 0 : i32
        %dma_start3A_205 = tpu.memref_slice %arg9[%while3A_176, %dma_start3A_204] : memref<16x768xf32, #tpu.memory_space<vmem>> -> memref<1x768xf32, #tpu.memory_space<vmem>>
        %dma_start3A_206 = tpu.memref_squeeze %dma_start3A_205 : memref<1x768xf32, #tpu.memory_space<vmem>> -> memref<768xf32, #tpu.memory_space<vmem>>
        tpu.enqueue_dma source(%dma_start3A_206 : memref<768xf32, #tpu.memory_space<vmem>>) target(%dma_start3A_203 : memref<768xf32, #tpu.memory_space<hbm>>) target_semaphore(%arg13 : memref<!tpu.dma_semaphore, #tpu.memory_space<semaphore_mem>>)
      }
      %while3A_165 = arith.constant 1 : i32
      scf.for %while3A_176 = %while3A_163 to %while3A_159 step %while3A_165  : i32 {
        %mul3A_177 = arith.constant 16 : i32
        %mul3A_178 = arith.muli %while3A_131, %mul3A_177 : i32
        %add3A_179 = arith.addi %mul3A_178, %while3A_176 : i32
        %broadcast_in_dim3A = vector.broadcast %add3A_179 : i32 to vector<16xi32>
        %gather3A = tpu.vector_load_idx %arg7[%broadcast_in_dim3A] : memref<2464xi32, #tpu.memory_space<vmem>>[vector<16xi32>], vector<16xi32>,
        %reduce_max3A = arith.constant true
        %reduce_max3A_180 = vector.broadcast %reduce_max3A : i1 to vector<16xi1>
        %reduce_max3A_181 = arith.constant -2147483648 : i32
        %reduce_max3A_182 = vector.broadcast %reduce_max3A_181 : i32 to vector<16xi32>
        %reduce_max3A_183 = arith.xori %gather3A, %reduce_max3A_182 : vector<16xi32>
        %reduce_max3A_184 = tpu.scan <max>, %reduce_max3A_183 masked %reduce_max3A_180 : vector<16xi32>, vector<16xi1> -> vector<16xi32>
        %reduce_max3A_185 = arith.xori %reduce_max3A_184, %reduce_max3A_182 : vector<16xi32>
        %reduce_max3A_186 = vector.extract %reduce_max3A_185[15] : i32 from vector<16xi32>
        %and3A_187 = arith.constant 127 : i32
        %and3A_188 = arith.andi %reduce_max3A_186, %and3A_187 : i32
        %shift_right_arithmetic3A = arith.constant 7 : i32
        %shift_right_arithmetic3A_189 = arith.shrsi %reduce_max3A_186, %shift_right_arithmetic3A : i32
        %and3A_190 = arith.constant 127 : i32
        %and3A_191 = arith.andi %shift_right_arithmetic3A_189, %and3A_190 : i32
        %shift_right_arithmetic3A_192 = arith.constant 7 : i32
        %shift_right_arithmetic3A_193 = arith.shrsi %shift_right_arithmetic3A_189, %shift_right_arithmetic3A_192 : i32
        %add3A_194 = arith.addi %mul3A_2, %shift_right_arithmetic3A_193 : i32
        %dma_start3A_195 = arith.constant 0 : i32
        %dma_start3A_196 = tpu.memref_slice %arg9[%while3A_176, %dma_start3A_195] : memref<16x768xf32, #tpu.memory_space<vmem>> -> memref<1x768xf32, #tpu.memory_space<vmem>>
        %dma_start3A_197 = tpu.memref_squeeze %dma_start3A_196 : memref<1x768xf32, #tpu.memory_space<vmem>> -> memref<768xf32, #tpu.memory_space<vmem>>
        %dma_start3A_198 = arith.constant 0 : i32
        %dma_start3A_199 = tpu.memref_slice %arg5[%add3A_194, %and3A_191, %dma_start3A_198] : memref<1024x77x768xf32, #tpu.memory_space<hbm>> -> memref<1x1x768xf32, #tpu.memory_space<hbm>>
        %dma_start3A_200 = tpu.memref_squeeze %dma_start3A_199 : memref<1x1x768xf32, #tpu.memory_space<hbm>> -> memref<768xf32, #tpu.memory_space<hbm>>
        %dma_start3A_201 = arith.constant 0 : i32
        %dma_start3A_202 = tpu.memref_slice %arg5[%add3A_194, %and3A_191, %dma_start3A_201] : memref<1024x77x768xf32, #tpu.memory_space<hbm>> -> memref<1x1x768xf32, #tpu.memory_space<hbm>>
        %dma_start3A_203 = tpu.memref_squeeze %dma_start3A_202 : memref<1x1x768xf32, #tpu.memory_space<hbm>> -> memref<768xf32, #tpu.memory_space<hbm>>
        %dma_start3A_204 = arith.constant 0 : i32
        %dma_start3A_205 = tpu.memref_slice %arg9[%while3A_176, %dma_start3A_204] : memref<16x768xf32, #tpu.memory_space<vmem>> -> memref<1x768xf32, #tpu.memory_space<vmem>>
        %dma_start3A_206 = tpu.memref_squeeze %dma_start3A_205 : memref<1x768xf32, #tpu.memory_space<vmem>> -> memref<768xf32, #tpu.memory_space<vmem>>
        tpu.enqueue_dma source(%dma_start3A_206 : memref<768xf32, #tpu.memory_space<vmem>>) target(%dma_start3A_203 : memref<768xf32, #tpu.memory_space<hbm>>) target_semaphore(%arg13 : memref<!tpu.dma_semaphore, #tpu.memory_space<semaphore_mem>>)
      }
      %while3A_166 = arith.constant 0 : i32
      %while3A_167 = arith.constant 0 : i32
      %while3A_168 = arith.subi %min3A_135, %while3A_167 : i32
      %while3A_169 = arith.addi %while3A_167, %while3A_168 : i32
      %while3A_170 = arith.constant 1 : i32
      %while3A_171 = arith.divsi %while3A_168, %while3A_170 : i32
      %while3A_172 = arith.muli %while3A_171, %while3A_170 : i32
      %while3A_173 = arith.addi %while3A_167, %while3A_172 : i32
      %while3A_174 = arith.constant 1 : i32
      scf.for %while3A_176 = %while3A_167 to %while3A_173 step %while3A_174  : i32 {
        %dma_wait3A_177 = arith.constant 0 : i32
        %dma_wait3A_178 = arith.constant 0 : i32
        %dma_wait3A_179 = arith.constant 0 : i32
        %dma_wait3A_180 = tpu.memref_slice %arg9[%dma_wait3A_177, %dma_wait3A_179] : memref<16x768xf32, #tpu.memory_space<vmem>> -> memref<1x768xf32, #tpu.memory_space<vmem>>
        %dma_wait3A_181 = tpu.memref_squeeze %dma_wait3A_180 : memref<1x768xf32, #tpu.memory_space<vmem>> -> memref<768xf32, #tpu.memory_space<vmem>>
        %dma_wait3A_182 = arith.constant 0 : i32
        %dma_wait3A_183 = tpu.memref_slice %arg5[%mul3A_2, %dma_wait3A_178, %dma_wait3A_182] : memref<1024x77x768xf32, #tpu.memory_space<hbm>> -> memref<1x1x768xf32, #tpu.memory_space<hbm>>
        %dma_wait3A_184 = tpu.memref_squeeze %dma_wait3A_183 : memref<1x1x768xf32, #tpu.memory_space<hbm>> -> memref<768xf32, #tpu.memory_space<hbm>>
        %dma_wait3A_185 = arith.constant 0 : i32
        %dma_wait3A_186 = tpu.memref_slice %arg5[%mul3A_2, %dma_wait3A_178, %dma_wait3A_185] : memref<1024x77x768xf32, #tpu.memory_space<hbm>> -> memref<1x1x768xf32, #tpu.memory_space<hbm>>
        %dma_wait3A_187 = tpu.memref_squeeze %dma_wait3A_186 : memref<1x1x768xf32, #tpu.memory_space<hbm>> -> memref<768xf32, #tpu.memory_space<hbm>>
        %dma_wait3A_188 = arith.constant 0 : i32
        %dma_wait3A_189 = tpu.memref_slice %arg9[%dma_wait3A_177, %dma_wait3A_188] : memref<16x768xf32, #tpu.memory_space<vmem>> -> memref<1x768xf32, #tpu.memory_space<vmem>>
        %dma_wait3A_190 = tpu.memref_squeeze %dma_wait3A_189 : memref<1x768xf32, #tpu.memory_space<vmem>> -> memref<768xf32, #tpu.memory_space<vmem>>
        tpu.wait_dma2 semaphore(%arg13 : memref<!tpu.dma_semaphore, #tpu.memory_space<semaphore_mem>>) src(%dma_wait3A_190 : memref<768xf32, #tpu.memory_space<vmem>>) dst(%dma_wait3A_187 : memref<768xf32, #tpu.memory_space<hbm>>)
      }
      %while3A_175 = arith.constant 1 : i32
      scf.for %while3A_176 = %while3A_173 to %while3A_169 step %while3A_175  : i32 {
        %dma_wait3A_177 = arith.constant 0 : i32
        %dma_wait3A_178 = arith.constant 0 : i32
        %dma_wait3A_179 = arith.constant 0 : i32
        %dma_wait3A_180 = tpu.memref_slice %arg9[%dma_wait3A_177, %dma_wait3A_179] : memref<16x768xf32, #tpu.memory_space<vmem>> -> memref<1x768xf32, #tpu.memory_space<vmem>>
        %dma_wait3A_181 = tpu.memref_squeeze %dma_wait3A_180 : memref<1x768xf32, #tpu.memory_space<vmem>> -> memref<768xf32, #tpu.memory_space<vmem>>
        %dma_wait3A_182 = arith.constant 0 : i32
        %dma_wait3A_183 = tpu.memref_slice %arg5[%mul3A_2, %dma_wait3A_178, %dma_wait3A_182] : memref<1024x77x768xf32, #tpu.memory_space<hbm>> -> memref<1x1x768xf32, #tpu.memory_space<hbm>>
        %dma_wait3A_184 = tpu.memref_squeeze %dma_wait3A_183 : memref<1x1x768xf32, #tpu.memory_space<hbm>> -> memref<768xf32, #tpu.memory_space<hbm>>
        %dma_wait3A_185 = arith.constant 0 : i32
        %dma_wait3A_186 = tpu.memref_slice %arg5[%mul3A_2, %dma_wait3A_178, %dma_wait3A_185] : memref<1024x77x768xf32, #tpu.memory_space<hbm>> -> memref<1x1x768xf32, #tpu.memory_space<hbm>>
        %dma_wait3A_187 = tpu.memref_squeeze %dma_wait3A_186 : memref<1x1x768xf32, #tpu.memory_space<hbm>> -> memref<768xf32, #tpu.memory_space<hbm>>
        %dma_wait3A_188 = arith.constant 0 : i32
        %dma_wait3A_189 = tpu.memref_slice %arg9[%dma_wait3A_177, %dma_wait3A_188] : memref<16x768xf32, #tpu.memory_space<vmem>> -> memref<1x768xf32, #tpu.memory_space<vmem>>
        %dma_wait3A_190 = tpu.memref_squeeze %dma_wait3A_189 : memref<1x768xf32, #tpu.memory_space<vmem>> -> memref<768xf32, #tpu.memory_space<vmem>>
        tpu.wait_dma2 semaphore(%arg13 : memref<!tpu.dma_semaphore, #tpu.memory_space<semaphore_mem>>) src(%dma_wait3A_190 : memref<768xf32, #tpu.memory_space<vmem>>) dst(%dma_wait3A_187 : memref<768xf32, #tpu.memory_space<hbm>>)
      }
    }
    %while3A_130 = arith.constant 1 : i32
    scf.for %while3A_131 = %while3A_128 to %while3A_124 step %while3A_130  : i32 {
      %mul3A_132 = arith.constant 16 : i32
      %mul3A_133 = arith.muli %while3A_131, %mul3A_132 : i32
      %sub3A_134 = arith.subi %scan3A_73#0, %mul3A_133 : i32
      %min3A = arith.constant 16 : i32
      %min3A_135 = arith.minsi %sub3A_134, %min3A : i32
      %while3A_136 = arith.constant 0 : i32
      %while3A_137 = arith.constant 0 : i32
      %while3A_138 = arith.subi %min3A_135, %while3A_137 : i32
      %while3A_139 = arith.addi %while3A_137, %while3A_138 : i32
      %while3A_140 = arith.constant 1 : i32
      %while3A_141 = arith.divsi %while3A_138, %while3A_140 : i32
      %while3A_142 = arith.muli %while3A_141, %while3A_140 : i32
      %while3A_143 = arith.addi %while3A_137, %while3A_142 : i32
      %while3A_144 = arith.constant 1 : i32
      scf.for %while3A_176 = %while3A_137 to %while3A_143 step %while3A_144  : i32 {
        %mul3A_177 = arith.constant 16 : i32
        %mul3A_178 = arith.muli %while3A_131, %mul3A_177 : i32
        %add3A_179 = arith.addi %mul3A_178, %while3A_176 : i32
        %broadcast_in_dim3A = vector.broadcast %add3A_179 : i32 to vector<16xi32>
        %gather3A = tpu.vector_load_idx %arg7[%broadcast_in_dim3A] : memref<2464xi32, #tpu.memory_space<vmem>>[vector<16xi32>], vector<16xi32>,
        %reduce_max3A = arith.constant true
        %reduce_max3A_180 = vector.broadcast %reduce_max3A : i1 to vector<16xi1>
        %reduce_max3A_181 = arith.constant -2147483648 : i32
        %reduce_max3A_182 = vector.broadcast %reduce_max3A_181 : i32 to vector<16xi32>
        %reduce_max3A_183 = arith.xori %gather3A, %reduce_max3A_182 : vector<16xi32>
        %reduce_max3A_184 = tpu.scan <max>, %reduce_max3A_183 masked %reduce_max3A_180 : vector<16xi32>, vector<16xi1> -> vector<16xi32>
        %reduce_max3A_185 = arith.xori %reduce_max3A_184, %reduce_max3A_182 : vector<16xi32>
        %reduce_max3A_186 = vector.extract %reduce_max3A_185[15] : i32 from vector<16xi32>
        %and3A_187 = arith.constant 127 : i32
        %and3A_188 = arith.andi %reduce_max3A_186, %and3A_187 : i32
        %shift_right_arithmetic3A = arith.constant 7 : i32
        %shift_right_arithmetic3A_189 = arith.shrsi %reduce_max3A_186, %shift_right_arithmetic3A : i32
        %and3A_190 = arith.constant 127 : i32
        %and3A_191 = arith.andi %shift_right_arithmetic3A_189, %and3A_190 : i32
        %shift_right_arithmetic3A_192 = arith.constant 7 : i32
        %shift_right_arithmetic3A_193 = arith.shrsi %shift_right_arithmetic3A_189, %shift_right_arithmetic3A_192 : i32
        %add3A_194 = arith.addi %mul3A_2, %shift_right_arithmetic3A_193 : i32
        %dma_start3A_195 = arith.constant 0 : i32
        %dma_start3A_196 = tpu.memref_slice %arg9[%while3A_176, %dma_start3A_195] : memref<16x768xf32, #tpu.memory_space<vmem>> -> memref<1x768xf32, #tpu.memory_space<vmem>>
        %dma_start3A_197 = tpu.memref_squeeze %dma_start3A_196 : memref<1x768xf32, #tpu.memory_space<vmem>> -> memref<768xf32, #tpu.memory_space<vmem>>
        %dma_start3A_198 = arith.constant 0 : i32
        %dma_start3A_199 = tpu.memref_slice %arg4[%add3A_194, %and3A_188, %dma_start3A_198] : memref<1024x77x768xf32, #tpu.memory_space<hbm>> -> memref<1x1x768xf32, #tpu.memory_space<hbm>>
        %dma_start3A_200 = tpu.memref_squeeze %dma_start3A_199 : memref<1x1x768xf32, #tpu.memory_space<hbm>> -> memref<768xf32, #tpu.memory_space<hbm>>
        %dma_start3A_201 = arith.constant 0 : i32
        %dma_start3A_202 = tpu.memref_slice %arg9[%while3A_176, %dma_start3A_201] : memref<16x768xf32, #tpu.memory_space<vmem>> -> memref<1x768xf32, #tpu.memory_space<vmem>>
        %dma_start3A_203 = tpu.memref_squeeze %dma_start3A_202 : memref<1x768xf32, #tpu.memory_space<vmem>> -> memref<768xf32, #tpu.memory_space<vmem>>
        %dma_start3A_204 = arith.constant 0 : i32
        %dma_start3A_205 = tpu.memref_slice %arg4[%add3A_194, %and3A_188, %dma_start3A_204] : memref<1024x77x768xf32, #tpu.memory_space<hbm>> -> memref<1x1x768xf32, #tpu.memory_space<hbm>>
        %dma_start3A_206 = tpu.memref_squeeze %dma_start3A_205 : memref<1x1x768xf32, #tpu.memory_space<hbm>> -> memref<768xf32, #tpu.memory_space<hbm>>
        tpu.enqueue_dma source(%dma_start3A_206 : memref<768xf32, #tpu.memory_space<hbm>>) target(%dma_start3A_203 : memref<768xf32, #tpu.memory_space<vmem>>) target_semaphore(%arg12 : memref<!tpu.dma_semaphore, #tpu.memory_space<semaphore_mem>>)
      }
      %while3A_145 = arith.constant 1 : i32
      scf.for %while3A_176 = %while3A_143 to %while3A_139 step %while3A_145  : i32 {
        %mul3A_177 = arith.constant 16 : i32
        %mul3A_178 = arith.muli %while3A_131, %mul3A_177 : i32
        %add3A_179 = arith.addi %mul3A_178, %while3A_176 : i32
        %broadcast_in_dim3A = vector.broadcast %add3A_179 : i32 to vector<16xi32>
        %gather3A = tpu.vector_load_idx %arg7[%broadcast_in_dim3A] : memref<2464xi32, #tpu.memory_space<vmem>>[vector<16xi32>], vector<16xi32>,
        %reduce_max3A = arith.constant true
        %reduce_max3A_180 = vector.broadcast %reduce_max3A : i1 to vector<16xi1>
        %reduce_max3A_181 = arith.constant -2147483648 : i32
        %reduce_max3A_182 = vector.broadcast %reduce_max3A_181 : i32 to vector<16xi32>
        %reduce_max3A_183 = arith.xori %gather3A, %reduce_max3A_182 : vector<16xi32>
        %reduce_max3A_184 = tpu.scan <max>, %reduce_max3A_183 masked %reduce_max3A_180 : vector<16xi32>, vector<16xi1> -> vector<16xi32>
        %reduce_max3A_185 = arith.xori %reduce_max3A_184, %reduce_max3A_182 : vector<16xi32>
        %reduce_max3A_186 = vector.extract %reduce_max3A_185[15] : i32 from vector<16xi32>
        %and3A_187 = arith.constant 127 : i32
        %and3A_188 = arith.andi %reduce_max3A_186, %and3A_187 : i32
        %shift_right_arithmetic3A = arith.constant 7 : i32
        %shift_right_arithmetic3A_189 = arith.shrsi %reduce_max3A_186, %shift_right_arithmetic3A : i32
        %and3A_190 = arith.constant 127 : i32
        %and3A_191 = arith.andi %shift_right_arithmetic3A_189, %and3A_190 : i32
        %shift_right_arithmetic3A_192 = arith.constant 7 : i32
        %shift_right_arithmetic3A_193 = arith.shrsi %shift_right_arithmetic3A_189, %shift_right_arithmetic3A_192 : i32
        %add3A_194 = arith.addi %mul3A_2, %shift_right_arithmetic3A_193 : i32
        %dma_start3A_195 = arith.constant 0 : i32
        %dma_start3A_196 = tpu.memref_slice %arg9[%while3A_176, %dma_start3A_195] : memref<16x768xf32, #tpu.memory_space<vmem>> -> memref<1x768xf32, #tpu.memory_space<vmem>>
        %dma_start3A_197 = tpu.memref_squeeze %dma_start3A_196 : memref<1x768xf32, #tpu.memory_space<vmem>> -> memref<768xf32, #tpu.memory_space<vmem>>
        %dma_start3A_198 = arith.constant 0 : i32
        %dma_start3A_199 = tpu.memref_slice %arg4[%add3A_194, %and3A_188, %dma_start3A_198] : memref<1024x77x768xf32, #tpu.memory_space<hbm>> -> memref<1x1x768xf32, #tpu.memory_space<hbm>>
        %dma_start3A_200 = tpu.memref_squeeze %dma_start3A_199 : memref<1x1x768xf32, #tpu.memory_space<hbm>> -> memref<768xf32, #tpu.memory_space<hbm>>
        %dma_start3A_201 = arith.constant 0 : i32
        %dma_start3A_202 = tpu.memref_slice %arg9[%while3A_176, %dma_start3A_201] : memref<16x768xf32, #tpu.memory_space<vmem>> -> memref<1x768xf32, #tpu.memory_space<vmem>>
        %dma_start3A_203 = tpu.memref_squeeze %dma_start3A_202 : memref<1x768xf32, #tpu.memory_space<vmem>> -> memref<768xf32, #tpu.memory_space<vmem>>
        %dma_start3A_204 = arith.constant 0 : i32
        %dma_start3A_205 = tpu.memref_slice %arg4[%add3A_194, %and3A_188, %dma_start3A_204] : memref<1024x77x768xf32, #tpu.memory_space<hbm>> -> memref<1x1x768xf32, #tpu.memory_space<hbm>>
        %dma_start3A_206 = tpu.memref_squeeze %dma_start3A_205 : memref<1x1x768xf32, #tpu.memory_space<hbm>> -> memref<768xf32, #tpu.memory_space<hbm>>
        tpu.enqueue_dma source(%dma_start3A_206 : memref<768xf32, #tpu.memory_space<hbm>>) target(%dma_start3A_203 : memref<768xf32, #tpu.memory_space<vmem>>) target_semaphore(%arg12 : memref<!tpu.dma_semaphore, #tpu.memory_space<semaphore_mem>>)
      }
      %while3A_146 = arith.constant 0 : i32
      %while3A_147 = arith.constant 0 : i32
      %while3A_148 = arith.subi %min3A_135, %while3A_147 : i32
      %while3A_149 = arith.addi %while3A_147, %while3A_148 : i32
      %while3A_150 = arith.constant 1 : i32
      %while3A_151 = arith.divsi %while3A_148, %while3A_150 : i32
      %while3A_152 = arith.muli %while3A_151, %while3A_150 : i32
      %while3A_153 = arith.addi %while3A_147, %while3A_152 : i32
      %while3A_154 = arith.constant 1 : i32
      scf.for %while3A_176 = %while3A_147 to %while3A_153 step %while3A_154  : i32 {
        %dma_wait3A_177 = arith.constant 0 : i32
        %dma_wait3A_178 = arith.constant 0 : i32
        %dma_wait3A_179 = arith.constant 0 : i32
        %dma_wait3A_180 = tpu.memref_slice %arg9[%dma_wait3A_178, %dma_wait3A_179] : memref<16x768xf32, #tpu.memory_space<vmem>> -> memref<1x768xf32, #tpu.memory_space<vmem>>
        %dma_wait3A_181 = tpu.memref_squeeze %dma_wait3A_180 : memref<1x768xf32, #tpu.memory_space<vmem>> -> memref<768xf32, #tpu.memory_space<vmem>>
        %dma_wait3A_182 = arith.constant 0 : i32
        %dma_wait3A_183 = tpu.memref_slice %arg4[%mul3A_2, %dma_wait3A_177, %dma_wait3A_182] : memref<1024x77x768xf32, #tpu.memory_space<hbm>> -> memref<1x1x768xf32, #tpu.memory_space<hbm>>
        %dma_wait3A_184 = tpu.memref_squeeze %dma_wait3A_183 : memref<1x1x768xf32, #tpu.memory_space<hbm>> -> memref<768xf32, #tpu.memory_space<hbm>>
        %dma_wait3A_185 = arith.constant 0 : i32
        %dma_wait3A_186 = tpu.memref_slice %arg9[%dma_wait3A_178, %dma_wait3A_185] : memref<16x768xf32, #tpu.memory_space<vmem>> -> memref<1x768xf32, #tpu.memory_space<vmem>>
        %dma_wait3A_187 = tpu.memref_squeeze %dma_wait3A_186 : memref<1x768xf32, #tpu.memory_space<vmem>> -> memref<768xf32, #tpu.memory_space<vmem>>
        %dma_wait3A_188 = arith.constant 0 : i32
        %dma_wait3A_189 = tpu.memref_slice %arg4[%mul3A_2, %dma_wait3A_177, %dma_wait3A_188] : memref<1024x77x768xf32, #tpu.memory_space<hbm>> -> memref<1x1x768xf32, #tpu.memory_space<hbm>>
        %dma_wait3A_190 = tpu.memref_squeeze %dma_wait3A_189 : memref<1x1x768xf32, #tpu.memory_space<hbm>> -> memref<768xf32, #tpu.memory_space<hbm>>
        tpu.wait_dma2 semaphore(%arg12 : memref<!tpu.dma_semaphore, #tpu.memory_space<semaphore_mem>>) src(%dma_wait3A_190 : memref<768xf32, #tpu.memory_space<hbm>>) dst(%dma_wait3A_187 : memref<768xf32, #tpu.memory_space<vmem>>)
      }
      %while3A_155 = arith.constant 1 : i32
      scf.for %while3A_176 = %while3A_153 to %while3A_149 step %while3A_155  : i32 {
        %dma_wait3A_177 = arith.constant 0 : i32
        %dma_wait3A_178 = arith.constant 0 : i32
        %dma_wait3A_179 = arith.constant 0 : i32
        %dma_wait3A_180 = tpu.memref_slice %arg9[%dma_wait3A_178, %dma_wait3A_179] : memref<16x768xf32, #tpu.memory_space<vmem>> -> memref<1x768xf32, #tpu.memory_space<vmem>>
        %dma_wait3A_181 = tpu.memref_squeeze %dma_wait3A_180 : memref<1x768xf32, #tpu.memory_space<vmem>> -> memref<768xf32, #tpu.memory_space<vmem>>
        %dma_wait3A_182 = arith.constant 0 : i32
        %dma_wait3A_183 = tpu.memref_slice %arg4[%mul3A_2, %dma_wait3A_177, %dma_wait3A_182] : memref<1024x77x768xf32, #tpu.memory_space<hbm>> -> memref<1x1x768xf32, #tpu.memory_space<hbm>>
        %dma_wait3A_184 = tpu.memref_squeeze %dma_wait3A_183 : memref<1x1x768xf32, #tpu.memory_space<hbm>> -> memref<768xf32, #tpu.memory_space<hbm>>
        %dma_wait3A_185 = arith.constant 0 : i32
        %dma_wait3A_186 = tpu.memref_slice %arg9[%dma_wait3A_178, %dma_wait3A_185] : memref<16x768xf32, #tpu.memory_space<vmem>> -> memref<1x768xf32, #tpu.memory_space<vmem>>
        %dma_wait3A_187 = tpu.memref_squeeze %dma_wait3A_186 : memref<1x768xf32, #tpu.memory_space<vmem>> -> memref<768xf32, #tpu.memory_space<vmem>>
        %dma_wait3A_188 = arith.constant 0 : i32
        %dma_wait3A_189 = tpu.memref_slice %arg4[%mul3A_2, %dma_wait3A_177, %dma_wait3A_188] : memref<1024x77x768xf32, #tpu.memory_space<hbm>> -> memref<1x1x768xf32, #tpu.memory_space<hbm>>
        %dma_wait3A_190 = tpu.memref_squeeze %dma_wait3A_189 : memref<1x1x768xf32, #tpu.memory_space<hbm>> -> memref<768xf32, #tpu.memory_space<hbm>>
        tpu.wait_dma2 semaphore(%arg12 : memref<!tpu.dma_semaphore, #tpu.memory_space<semaphore_mem>>) src(%dma_wait3A_190 : memref<768xf32, #tpu.memory_space<hbm>>) dst(%dma_wait3A_187 : memref<768xf32, #tpu.memory_space<vmem>>)
      }
      %while3A_156 = arith.constant 0 : i32
      %while3A_157 = arith.constant 0 : i32
      %while3A_158 = arith.subi %min3A_135, %while3A_157 : i32
      %while3A_159 = arith.addi %while3A_157, %while3A_158 : i32
      %while3A_160 = arith.constant 1 : i32
      %while3A_161 = arith.divsi %while3A_158, %while3A_160 : i32
      %while3A_162 = arith.muli %while3A_161, %while3A_160 : i32
      %while3A_163 = arith.addi %while3A_157, %while3A_162 : i32
      %while3A_164 = arith.constant 1 : i32
      scf.for %while3A_176 = %while3A_157 to %while3A_163 step %while3A_164  : i32 {
        %mul3A_177 = arith.constant 16 : i32
        %mul3A_178 = arith.muli %while3A_131, %mul3A_177 : i32
        %add3A_179 = arith.addi %mul3A_178, %while3A_176 : i32
        %broadcast_in_dim3A = vector.broadcast %add3A_179 : i32 to vector<16xi32>
        %gather3A = tpu.vector_load_idx %arg7[%broadcast_in_dim3A] : memref<2464xi32, #tpu.memory_space<vmem>>[vector<16xi32>], vector<16xi32>,
        %reduce_max3A = arith.constant true
        %reduce_max3A_180 = vector.broadcast %reduce_max3A : i1 to vector<16xi1>
        %reduce_max3A_181 = arith.constant -2147483648 : i32
        %reduce_max3A_182 = vector.broadcast %reduce_max3A_181 : i32 to vector<16xi32>
        %reduce_max3A_183 = arith.xori %gather3A, %reduce_max3A_182 : vector<16xi32>
        %reduce_max3A_184 = tpu.scan <max>, %reduce_max3A_183 masked %reduce_max3A_180 : vector<16xi32>, vector<16xi1> -> vector<16xi32>
        %reduce_max3A_185 = arith.xori %reduce_max3A_184, %reduce_max3A_182 : vector<16xi32>
        %reduce_max3A_186 = vector.extract %reduce_max3A_185[15] : i32 from vector<16xi32>
        %and3A_187 = arith.constant 127 : i32
        %and3A_188 = arith.andi %reduce_max3A_186, %and3A_187 : i32
        %shift_right_arithmetic3A = arith.constant 7 : i32
        %shift_right_arithmetic3A_189 = arith.shrsi %reduce_max3A_186, %shift_right_arithmetic3A : i32
        %and3A_190 = arith.constant 127 : i32
        %and3A_191 = arith.andi %shift_right_arithmetic3A_189, %and3A_190 : i32
        %shift_right_arithmetic3A_192 = arith.constant 7 : i32
        %shift_right_arithmetic3A_193 = arith.shrsi %shift_right_arithmetic3A_189, %shift_right_arithmetic3A_192 : i32
        %add3A_194 = arith.addi %mul3A_2, %shift_right_arithmetic3A_193 : i32
        %dma_start3A_195 = arith.constant 0 : i32
        %dma_start3A_196 = tpu.memref_slice %arg9[%while3A_176, %dma_start3A_195] : memref<16x768xf32, #tpu.memory_space<vmem>> -> memref<1x768xf32, #tpu.memory_space<vmem>>
        %dma_start3A_197 = tpu.memref_squeeze %dma_start3A_196 : memref<1x768xf32, #tpu.memory_space<vmem>> -> memref<768xf32, #tpu.memory_space<vmem>>
        %dma_start3A_198 = arith.constant 0 : i32
        %dma_start3A_199 = tpu.memref_slice %arg5[%add3A_194, %and3A_191, %dma_start3A_198] : memref<1024x77x768xf32, #tpu.memory_space<hbm>> -> memref<1x1x768xf32, #tpu.memory_space<hbm>>
        %dma_start3A_200 = tpu.memref_squeeze %dma_start3A_199 : memref<1x1x768xf32, #tpu.memory_space<hbm>> -> memref<768xf32, #tpu.memory_space<hbm>>
        %dma_start3A_201 = arith.constant 0 : i32
        %dma_start3A_202 = tpu.memref_slice %arg5[%add3A_194, %and3A_191, %dma_start3A_201] : memref<1024x77x768xf32, #tpu.memory_space<hbm>> -> memref<1x1x768xf32, #tpu.memory_space<hbm>>
        %dma_start3A_203 = tpu.memref_squeeze %dma_start3A_202 : memref<1x1x768xf32, #tpu.memory_space<hbm>> -> memref<768xf32, #tpu.memory_space<hbm>>
        %dma_start3A_204 = arith.constant 0 : i32
        %dma_start3A_205 = tpu.memref_slice %arg9[%while3A_176, %dma_start3A_204] : memref<16x768xf32, #tpu.memory_space<vmem>> -> memref<1x768xf32, #tpu.memory_space<vmem>>
        %dma_start3A_206 = tpu.memref_squeeze %dma_start3A_205 : memref<1x768xf32, #tpu.memory_space<vmem>> -> memref<768xf32, #tpu.memory_space<vmem>>
        tpu.enqueue_dma source(%dma_start3A_206 : memref<768xf32, #tpu.memory_space<vmem>>) target(%dma_start3A_203 : memref<768xf32, #tpu.memory_space<hbm>>) target_semaphore(%arg13 : memref<!tpu.dma_semaphore, #tpu.memory_space<semaphore_mem>>)
      }
      %while3A_165 = arith.constant 1 : i32
      scf.for %while3A_176 = %while3A_163 to %while3A_159 step %while3A_165  : i32 {
        %mul3A_177 = arith.constant 16 : i32
        %mul3A_178 = arith.muli %while3A_131, %mul3A_177 : i32
        %add3A_179 = arith.addi %mul3A_178, %while3A_176 : i32
        %broadcast_in_dim3A = vector.broadcast %add3A_179 : i32 to vector<16xi32>
        %gather3A = tpu.vector_load_idx %arg7[%broadcast_in_dim3A] : memref<2464xi32, #tpu.memory_space<vmem>>[vector<16xi32>], vector<16xi32>,
        %reduce_max3A = arith.constant true
        %reduce_max3A_180 = vector.broadcast %reduce_max3A : i1 to vector<16xi1>
        %reduce_max3A_181 = arith.constant -2147483648 : i32
        %reduce_max3A_182 = vector.broadcast %reduce_max3A_181 : i32 to vector<16xi32>
        %reduce_max3A_183 = arith.xori %gather3A, %reduce_max3A_182 : vector<16xi32>
        %reduce_max3A_184 = tpu.scan <max>, %reduce_max3A_183 masked %reduce_max3A_180 : vector<16xi32>, vector<16xi1> -> vector<16xi32>
        %reduce_max3A_185 = arith.xori %reduce_max3A_184, %reduce_max3A_182 : vector<16xi32>
        %reduce_max3A_186 = vector.extract %reduce_max3A_185[15] : i32 from vector<16xi32>
        %and3A_187 = arith.constant 127 : i32
        %and3A_188 = arith.andi %reduce_max3A_186, %and3A_187 : i32
        %shift_right_arithmetic3A = arith.constant 7 : i32
        %shift_right_arithmetic3A_189 = arith.shrsi %reduce_max3A_186, %shift_right_arithmetic3A : i32
        %and3A_190 = arith.constant 127 : i32
        %and3A_191 = arith.andi %shift_right_arithmetic3A_189, %and3A_190 : i32
        %shift_right_arithmetic3A_192 = arith.constant 7 : i32
        %shift_right_arithmetic3A_193 = arith.shrsi %shift_right_arithmetic3A_189, %shift_right_arithmetic3A_192 : i32
        %add3A_194 = arith.addi %mul3A_2, %shift_right_arithmetic3A_193 : i32
        %dma_start3A_195 = arith.constant 0 : i32
        %dma_start3A_196 = tpu.memref_slice %arg9[%while3A_176, %dma_start3A_195] : memref<16x768xf32, #tpu.memory_space<vmem>> -> memref<1x768xf32, #tpu.memory_space<vmem>>
        %dma_start3A_197 = tpu.memref_squeeze %dma_start3A_196 : memref<1x768xf32, #tpu.memory_space<vmem>> -> memref<768xf32, #tpu.memory_space<vmem>>
        %dma_start3A_198 = arith.constant 0 : i32
        %dma_start3A_199 = tpu.memref_slice %arg5[%add3A_194, %and3A_191, %dma_start3A_198] : memref<1024x77x768xf32, #tpu.memory_space<hbm>> -> memref<1x1x768xf32, #tpu.memory_space<hbm>>
        %dma_start3A_200 = tpu.memref_squeeze %dma_start3A_199 : memref<1x1x768xf32, #tpu.memory_space<hbm>> -> memref<768xf32, #tpu.memory_space<hbm>>
        %dma_start3A_201 = arith.constant 0 : i32
        %dma_start3A_202 = tpu.memref_slice %arg5[%add3A_194, %and3A_191, %dma_start3A_201] : memref<1024x77x768xf32, #tpu.memory_space<hbm>> -> memref<1x1x768xf32, #tpu.memory_space<hbm>>
        %dma_start3A_203 = tpu.memref_squeeze %dma_start3A_202 : memref<1x1x768xf32, #tpu.memory_space<hbm>> -> memref<768xf32, #tpu.memory_space<hbm>>
        %dma_start3A_204 = arith.constant 0 : i32
        %dma_start3A_205 = tpu.memref_slice %arg9[%while3A_176, %dma_start3A_204] : memref<16x768xf32, #tpu.memory_space<vmem>> -> memref<1x768xf32, #tpu.memory_space<vmem>>
        %dma_start3A_206 = tpu.memref_squeeze %dma_start3A_205 : memref<1x768xf32, #tpu.memory_space<vmem>> -> memref<768xf32, #tpu.memory_space<vmem>>
        tpu.enqueue_dma source(%dma_start3A_206 : memref<768xf32, #tpu.memory_space<vmem>>) target(%dma_start3A_203 : memref<768xf32, #tpu.memory_space<hbm>>) target_semaphore(%arg13 : memref<!tpu.dma_semaphore, #tpu.memory_space<semaphore_mem>>)
      }
      %while3A_166 = arith.constant 0 : i32
      %while3A_167 = arith.constant 0 : i32
      %while3A_168 = arith.subi %min3A_135, %while3A_167 : i32
      %while3A_169 = arith.addi %while3A_167, %while3A_168 : i32
      %while3A_170 = arith.constant 1 : i32
      %while3A_171 = arith.divsi %while3A_168, %while3A_170 : i32
      %while3A_172 = arith.muli %while3A_171, %while3A_170 : i32
      %while3A_173 = arith.addi %while3A_167, %while3A_172 : i32
      %while3A_174 = arith.constant 1 : i32
      scf.for %while3A_176 = %while3A_167 to %while3A_173 step %while3A_174  : i32 {
        %dma_wait3A_177 = arith.constant 0 : i32
        %dma_wait3A_178 = arith.constant 0 : i32
        %dma_wait3A_179 = arith.constant 0 : i32
        %dma_wait3A_180 = tpu.memref_slice %arg9[%dma_wait3A_177, %dma_wait3A_179] : memref<16x768xf32, #tpu.memory_space<vmem>> -> memref<1x768xf32, #tpu.memory_space<vmem>>
        %dma_wait3A_181 = tpu.memref_squeeze %dma_wait3A_180 : memref<1x768xf32, #tpu.memory_space<vmem>> -> memref<768xf32, #tpu.memory_space<vmem>>
        %dma_wait3A_182 = arith.constant 0 : i32
        %dma_wait3A_183 = tpu.memref_slice %arg5[%mul3A_2, %dma_wait3A_178, %dma_wait3A_182] : memref<1024x77x768xf32, #tpu.memory_space<hbm>> -> memref<1x1x768xf32, #tpu.memory_space<hbm>>
        %dma_wait3A_184 = tpu.memref_squeeze %dma_wait3A_183 : memref<1x1x768xf32, #tpu.memory_space<hbm>> -> memref<768xf32, #tpu.memory_space<hbm>>
        %dma_wait3A_185 = arith.constant 0 : i32
        %dma_wait3A_186 = tpu.memref_slice %arg5[%mul3A_2, %dma_wait3A_178, %dma_wait3A_185] : memref<1024x77x768xf32, #tpu.memory_space<hbm>> -> memref<1x1x768xf32, #tpu.memory_space<hbm>>
        %dma_wait3A_187 = tpu.memref_squeeze %dma_wait3A_186 : memref<1x1x768xf32, #tpu.memory_space<hbm>> -> memref<768xf32, #tpu.memory_space<hbm>>
        %dma_wait3A_188 = arith.constant 0 : i32
        %dma_wait3A_189 = tpu.memref_slice %arg9[%dma_wait3A_177, %dma_wait3A_188] : memref<16x768xf32, #tpu.memory_space<vmem>> -> memref<1x768xf32, #tpu.memory_space<vmem>>
        %dma_wait3A_190 = tpu.memref_squeeze %dma_wait3A_189 : memref<1x768xf32, #tpu.memory_space<vmem>> -> memref<768xf32, #tpu.memory_space<vmem>>
        tpu.wait_dma2 semaphore(%arg13 : memref<!tpu.dma_semaphore, #tpu.memory_space<semaphore_mem>>) src(%dma_wait3A_190 : memref<768xf32, #tpu.memory_space<vmem>>) dst(%dma_wait3A_187 : memref<768xf32, #tpu.memory_space<hbm>>)
      }
      %while3A_175 = arith.constant 1 : i32
      scf.for %while3A_176 = %while3A_173 to %while3A_169 step %while3A_175  : i32 {
        %dma_wait3A_177 = arith.constant 0 : i32
        %dma_wait3A_178 = arith.constant 0 : i32
        %dma_wait3A_179 = arith.constant 0 : i32
        %dma_wait3A_180 = tpu.memref_slice %arg9[%dma_wait3A_177, %dma_wait3A_179] : memref<16x768xf32, #tpu.memory_space<vmem>> -> memref<1x768xf32, #tpu.memory_space<vmem>>
        %dma_wait3A_181 = tpu.memref_squeeze %dma_wait3A_180 : memref<1x768xf32, #tpu.memory_space<vmem>> -> memref<768xf32, #tpu.memory_space<vmem>>
        %dma_wait3A_182 = arith.constant 0 : i32
        %dma_wait3A_183 = tpu.memref_slice %arg5[%mul3A_2, %dma_wait3A_178, %dma_wait3A_182] : memref<1024x77x768xf32, #tpu.memory_space<hbm>> -> memref<1x1x768xf32, #tpu.memory_space<hbm>>
        %dma_wait3A_184 = tpu.memref_squeeze %dma_wait3A_183 : memref<1x1x768xf32, #tpu.memory_space<hbm>> -> memref<768xf32, #tpu.memory_space<hbm>>
        %dma_wait3A_185 = arith.constant 0 : i32
        %dma_wait3A_186 = tpu.memref_slice %arg5[%mul3A_2, %dma_wait3A_178, %dma_wait3A_185] : memref<1024x77x768xf32, #tpu.memory_space<hbm>> -> memref<1x1x768xf32, #tpu.memory_space<hbm>>
        %dma_wait3A_187 = tpu.memref_squeeze %dma_wait3A_186 : memref<1x1x768xf32, #tpu.memory_space<hbm>> -> memref<768xf32, #tpu.memory_space<hbm>>
        %dma_wait3A_188 = arith.constant 0 : i32
        %dma_wait3A_189 = tpu.memref_slice %arg9[%dma_wait3A_177, %dma_wait3A_188] : memref<16x768xf32, #tpu.memory_space<vmem>> -> memref<1x768xf32, #tpu.memory_space<vmem>>
        %dma_wait3A_190 = tpu.memref_squeeze %dma_wait3A_189 : memref<1x768xf32, #tpu.memory_space<vmem>> -> memref<768xf32, #tpu.memory_space<vmem>>
        tpu.wait_dma2 semaphore(%arg13 : memref<!tpu.dma_semaphore, #tpu.memory_space<semaphore_mem>>) src(%dma_wait3A_190 : memref<768xf32, #tpu.memory_space<vmem>>) dst(%dma_wait3A_187 : memref<768xf32, #tpu.memory_space<hbm>>)
      }
    }
    return
  }
}

</mosaic_0001>

<sc_bundles>
// kernel: _run.3.cloned.1.call-start
scs
__scs_entry_jumppad:
0x0: {  	(pc) =	sbr.rel $0x88, $3  }
0x1: {  	(tag) =	ssettag $0x0;
	lr =	simm.s32 $0x1  }
0x2: {  	[smem:$0x3F9E] =	sst lr;
	_ =	strace $0xD0000000  }
0x3: {  	_ = 	snop  }
0x4: {  	_ = 	snop  }
0x5: {  	_ = 	snop  }
0x6: {  	_ = 	snop  }
0x7: {  	_ = 	snop  }
__scs_overlays_trampoline_lowered:
0x8: {  	[smem:$0x3FAD] =	sst s0  }
0x9: {  	[smem:$0x3FAE] =	sst s1  }
0xa: {  	[smem:$0x3FAF] =	sst s2  }
0xb: {  	[smem:$0x3FB0] =	sst s3  }
0xc: {  	[smem:$0x3FB1] =	sst s4  }
0xd: {  	[smem:$0x3FB2] =	sst s5  }
0xe: {  	[smem:$0x3FB3] =	sst s6  }
0xf: {  	[smem:$0x3FB4] =	sst s7  }
0x10: {  	[smem:$0x3FB5] =	sst s8  }
0x11: {  	[smem:$0x3FB6] =	sst s9;
	s0 =	simm.s32 @!p0 $0x0  }
0x12: {  	s1 =	sld [smem:$0x3F9C];
	s0 =	simm.s32 @p0 $0x1  }
0x13: {  	[smem:$0x3FB7] =	sst s0;
	s0 =	simm.s32 @!p1 $0x0  }
0x14: {  	s2 =	sld [smem:$0x3F9B];
	s0 =	simm.s32 @p1 $0x1  }
0x15: {  	[smem:$0x3FB8] =	sst s0;
	s0 =	simm.s32 @!p2 $0x0  }
0x16: {  	s3 =	sld [smem:$0x3FDB];
	s0 =	simm.s32 @p2 $0x1  }
0x17: {  	s4 =	simm.s32 $0x1BF5;
	[smem:$0x3FBA] =	sst s0  }
0x18: {  	s0 =	sld [smem:$0x3F9D];
	_ =	swait.ge [sflag:s4], $0x0  }
0x19: {  	s7 =	sld [smem:$0x3F9E]  }
0x1a: {  	s8 =	sadd.s32 $0xFFFFE003, lr  }
0x1b: {  	s9 =	sadd.s32 $0xFFFFFEF7, lr;
	s5 =	simm.s32 $0xFFFFFFFF;
	p2 =	slt.u32 s8, $0xFFFFF086  }
0x1c: {  	p1 =	slt.u32 s9, $0xF7A;
	s5 =	simm.s32 @!p2 $0x0  }
0x1d: {  	s5 =	simm.s32 @p1 $0x1;
	p0 =	seq.s32 s7, s2  }
0x1e: {  	s7 =	smul.u32 @!p0 $0xF7A, s2;
	p2 =	seq.s32 @!p0 s5, $0x0  }
0x1f: {  	s9 =	smul.u32 $0xF7A, s1;
	s8 =	simm.s32 @!p0 $0x1BF5;
	p2 =	por !p2, p0  }
0x20: {  	[sflag:s8] =	ssyncset.s32 @!p0 $0xFFFFF086;
	s6 =	sadd.s32 @!p0 s3, s7;
	s7 =	simm.s32 @!p0 $0x108  }
0x21: {  	s3 =	sadd.s32 s3, s9;
	s6 =	sadd.s32 @!p0 $0x88, s6;
	s7 =	simm.s32 @p2 $0x1082  }
0x22: {  	[simem:s7], [sflag:s8] =	dma.local @!p0 [hbm:s6], $0xF7A  }
0x23: {  	s9 =	sor.u32 $0xD0000000, s2;
	s6 =	simm.s32 $0x108;
	_ =	swait.ge @!p0 [sflag:s8], $0x0  }
0x24: {  	s3 =	sadd.s32 $0x88, s3;
	s6 =	simm.s32 @!p1 $0x1082;
	[sflag:s4] =	ssyncset.s32 $0xFFFFF086  }
0x25: {  	[simem:s6], [sflag:s4] =	dma.local [hbm:s3], $0xF7A  }
0x26: {  	[smem:$0x3F9E] =	sst s1;
	(tag) =	ssettag s2;
	_ =	strace s9  }
0x27: {  	s1 =	sld [smem:$0x3FAE]  }
0x28: {  	s2 =	sld [smem:$0x3FAF]  }
0x29: {  	s4 =	sld [smem:$0x3FB1]  }
0x2a: {  	p0 =	seq.s32 s5, $0x0;
	s5 =	sld [smem:$0x3FB2]  }
0x2b: {  	s6 =	sld [smem:$0x3FB3]  }
0x2c: {  	s7 =	sld [smem:$0x3FB4]  }
0x2d: {  	s3 =	simm.s32 $0x108;
	s8 =	sld [smem:$0x3FB5]  }
0x2e: {  	s3 =	simm.s32 @!p0 $0x1082;
	s9 =	sld [smem:$0x3FB6]  }
0x2f: {  	lr =	sadd.s32 s0, s3;
	s0 =	sld [smem:$0x3FAD]  }
0x30: {  	s3 =	sld [smem:$0x3FB0]  }
0x31: {  	[smem:$0x3FB9] =	sst s10  }
0x32: {  	s10 =	sld [smem:$0x3FB7];
	_ =	sdelay $0x3  }
0x33: {  	p0 =	seq.s32 s10, $0x1;
	s10 =	sld [smem:$0x3FB9];
	_ =	sdelay $0x3  }
0x34: {  	[smem:$0x3FB9] =	sst s10  }
0x35: {  	s10 =	sld [smem:$0x3FB8];
	_ =	sdelay $0x3  }
0x36: {  	p1 =	seq.s32 s10, $0x1;
	s10 =	sld [smem:$0x3FB9];
	_ =	sdelay $0x3  }
0x37: {  	[smem:$0x3FB9] =	sst s10  }
0x38: {  	s10 =	sld [smem:$0x3FBA]  }
0x39: {  	_ = 	snop;
	(pc) =	sbr.ind lr, $3  }
0x3a: {  	_ = 	snop  }
0x3b: {  	_ = 	snop  }
0x3c: {  	p2 =	seq.s32 s10, $0x1;
	s10 =	sld [smem:$0x3FB9]  }
0x3d: {  	_ =	shalt  }
0x3e: {  	_ =	shalt  }
0x3f: {  	_ =	shalt  }
0x40: {  	_ =	shalt  }
0x41: {  	_ =	shalt  }
0x42: {  	_ =	shalt  }
0x43: {  	_ =	shalt  }
0x44: {  	_ =	shalt  }
0x45: {  	_ =	shalt  }
0x46: {  	_ =	shalt  }
0x47: {  	_ =	shalt  }
0x48: {  	_ =	shalt  }
0x49: {  	_ =	shalt  }
0x4a: {  	_ =	shalt  }
0x4b: {  	_ =	shalt  }
0x4c: {  	_ =	shalt  }
0x4d: {  	_ =	shalt  }
0x4e: {  	_ =	shalt  }
0x4f: {  	_ =	shalt  }
0x50: {  	_ =	shalt  }
0x51: {  	_ =	shalt  }
0x52: {  	_ =	shalt  }
0x53: {  	_ =	shalt  }
0x54: {  	_ =	shalt  }
0x55: {  	_ =	shalt  }
0x56: {  	_ =	shalt  }
0x57: {  	_ =	shalt  }
0x58: {  	_ =	shalt  }
0x59: {  	_ =	shalt  }
0x5a: {  	_ =	shalt  }
0x5b: {  	_ =	shalt  }
0x5c: {  	_ =	shalt  }
0x5d: {  	_ =	shalt  }
0x5e: {  	_ =	shalt  }
0x5f: {  	_ =	shalt  }
0x60: {  	_ =	shalt  }
0x61: {  	_ =	shalt  }
0x62: {  	_ =	shalt  }
0x63: {  	_ =	shalt  }
0x64: {  	_ =	shalt  }
0x65: {  	_ =	shalt  }
0x66: {  	_ =	shalt  }
0x67: {  	_ =	shalt  }
0x68: {  	_ =	shalt  }
0x69: {  	_ =	shalt  }
0x6a: {  	_ =	shalt  }
0x6b: {  	_ =	shalt  }
0x6c: {  	_ =	shalt  }
0x6d: {  	_ =	shalt  }
0x6e: {  	_ =	shalt  }
0x6f: {  	_ =	shalt  }
0x70: {  	_ =	shalt  }
0x71: {  	_ =	shalt  }
0x72: {  	_ =	shalt  }
0x73: {  	_ =	shalt  }
0x74: {  	_ =	shalt  }
0x75: {  	_ =	shalt  }
0x76: {  	_ =	shalt  }
0x77: {  	_ =	shalt  }
0x78: {  	_ =	shalt  }
0x79: {  	_ =	shalt  }
0x7a: {  	_ =	shalt  }
0x7b: {  	_ =	shalt  }
0x7c: {  	_ =	shalt  }
0x7d: {  	_ =	shalt  }
0x7e: {  	_ =	shalt  }
0x7f: {  	_ =	shalt  }
0x80: {  	_ =	shalt  }
0x81: {  	_ =	shalt  }
0x82: {  	_ =	shalt  }
0x83: {  	_ =	shalt  }
0x84: {  	_ =	shalt  }
0x85: {  	_ =	shalt  }
0x86: {  	_ =	shalt  }
0x87: {  	_ =	shalt  }
.Lfunc_end0:
.L_simem_size_0:
called_computation_lowered:
.L_overlay_start_0:
0x88: {  	s2 =	sld [smem:$0x3FD9]  }
0x89: {  	s3 =	sld [smem:$0x3FFE];
	_ =	sdelay $0x1  }
0x8a: {  	s1 =	srdreg.scid  }
0x8b: {  	s0 =	sand.u32 $0x1, s1  }
0x8c: {  	s17 =	sshll.u32 s0, $0xA;
	s2 =	sadd.s32 s3, s2  }
0x8d: {  	s2 =	sadd.s32 s2, s17  }
0x8e: {  	[smem:$0x3FC5] =	sst s2  }
0x8f: {  	_ = 	snop  }
0x90: {  	s2 =	sld [smem:$0x3FC9];
	(tm) =	ssettm $0x1  }
0x91: {  	s18 =	sld [smem:$0x3FFB];
	_ =	sdelay $0x3  }
0x92: {  	_ =	strace s18  }
0x93: {  	s3 =	sld [smem:$0x3FFC];
	_ =	sdelay $0x3  }
0x94: {  	_ =	strace s3  }
0x95: {  	s3 =	sld [smem:$0x3FFD];
	_ =	sdelay $0x3  }
0x96: {  	_ =	strace s3  }
0x97: {  	_ =	strace $0x8FFFFFFF  }
0x98: {  	s19 =	sld [smem:$0x3FDB];
	_ =	sdelay $0x1  }
0x99: {  	s4 =	simm.s32 $_scs_section_size  }
0x9a: {  	s5 =	simm.s32 $_size__tile_overlayer_lowered;
	s6 =	simm.s32 $_tile_overlayer_lowered  }
0x9b: {  	s22 =	simm.s32 $0x1BFF;
	s21 =	sshll.u32 s6, $0x1;
	s3 =	sadd.s32 s4, s19  }
0x9c: {  	s7 =	simm.s32 $0x0;
	s20 =	sshll.u32 s5, $0x1;
	s5 =	sadd.s32 s21, s3  }
0x9d: {  	[timem:s7], [sflag:s22] =	dma.local [hbm:s5], s20  }
0x9e: {  	_ =	swait.ge [sflag:s22], s20  }
0x9f: {  	s4 =	ssub.s32 $0x0, s20;
	[sflag:s22] =	ssyncset.done $0x0  }
0xa0: {  	[sflag:s22] =	ssyncadd.s32 s4;
	_ =	sdelay $0x1  }
0xa1: {  	s23 =	simm.s32 $0x1B8B  }
0xa2: {  	_ =	swait.ge [sflag:s23], $0x1  }
0xa3: {  	[sflag:s23] =	ssyncset.done $0x0  }
0xa4: {  	s25 =	simm.s32 $0x1B8E;
	s24 =	sld [smem:$0x3FFE];
	[sflag:s23] =	ssyncadd.s32 $0xFFFFFFFF  }
0xa5: {  	s26 =	simm.s32 $execute0_lowered;
	[smem:$0x3FD2] =	sst s25  }
0xa6: {  	s5 =	sshll.u32 s26, $0x1;
	_ =	strace $0x80000046;
	[dreg:$0x1] =	wrdreg $0xFFFFFFFF  }
0xa7: {  	s28 =	simm.s32 $_size_execute0_lowered;
	s3 =	sadd.s32 s3, s5;
	[dreg:$0x0] =	wrdreg $0x0  }
0xa8: {  	s5 =	sshll.u32 s28, $0x1;
	[dreg:$0x2] =	wrdreg s3  }
0xa9: {  	[dreg:$0x3] =	wrdreg s5  }
0xaa: {  	[dreg:$0x4] =	wrdreg $0xC0  }
0xab: {  	_ =	task [dreg:s7], $0x5FFFF  }
0xac: {  	[dreg:$0x1] =	wrdreg $0xFFFFFFFF  }
0xad: {  	[dreg:$0x0] =	wrdreg $0x60  }
0xae: {  	[dreg:$0x2] =	wrdreg s2  }
0xaf: {  	[dreg:$0x3] =	wrdreg s24  }
0xb0: {  	[dreg:$0x4] =	wrdreg $0x9  }
0xb1: {  	_ =	task.clear_ibuf [dreg:s7], $0x5FFFF;
	_ =	strace $0x90000046  }
0xb2: {  	s29 =	simm.s32 $0x9;
	_ =	strace $0x80000048  }
0xb3: {  	_ =	swait.ge [sflag:s29], $0x1  }
0xb4: {  	[sflag:s29] =	ssyncadd.s32 $0xFFFFFFFF  }
0xb5: {  	_ =	strace $0x90000048  }
0xb6: {  	_ =	sfence  }
0xb7: {  	s30 =	sld [smem:$0x0];
	_ =	sdelay $0x2  }
0xb8: {  	s31 =	sshll.u32 s1, $0xD;
	s1 =	sshrl.u32 s1, $0x2  }
0xb9: {  	s3 =	sand.u32 $0x4000, s31;
	s1 =	sadd.s32 s1, s30  }
0xba: {  	s0 =	sor.u32 s3, s0;
	s1 =	sshll.u32 s1, $0x11  }
0xbb: {  	s0 =	sor.u32 s1, s0  }
0xbc: {  	s0 =	sadd.s32 $0x8F2B, s0  }
0xbd: {  	[sflag:s0] =	ssyncadd.remote.s32 $0x1  }
0xbe: {  	_ =	sfence.sel $0xFFFF  }
0xbf: {  	[dreg:$0x0] =	wrdreg $0xFFFFFFFF;
	(pc) =	sbr.abs _section_cstart, $3  }
0xc0: {  	[dreg:$0x1] =	wrdreg $0xFFFFFFFF  }
0xc1: {  	_ =	task.clear_ibuf [dreg:s7], $0x2FFFF;
	_ =	strace $0x9FFFFFFF  }
0xc2: {  	(tm) =	ssettm $0x7FFFFFFF  }
0xc3: {  	_ =	shalt  }
tec
execute0_lowered:
.L_overlay_start_1:
0x0: {  	(tag) =	ssettag $0x1  }
0x1: {  	s0 =	rddreg [dreg:$0x0]  }
0x2: {  	s1 =	rddreg [dreg:$0x1];
	s3 =	srdreg.scid  }
0x3: {  	s2 =	simm.s32 $0x0;
	s4 =	stileid.u32;
	s11 =	simm.s32 $0x800  }
0x4: {  	s12 =	simm.s32 $0x1800;
	s16 =	simm.s32 $0xB;
	s17 =	simm.s32 $0x1000  }
0x5: {  	s18 =	simm.s32 $0x8;
	s19 =	simm.s32 $0x9;
	s5 =	sand.u32 $0x1, s3  }
0x6: {  	s20 =	simm.s32 $0xA;
	s4 =	sshll.u32 s4, $0x6;
	s6 =	sshll.u32 s5, $0x5  }
0x7: {  	s21 =	simm.s32 $0x0;
	[smem:$0x7FF] =	sst s2;
	s4 =	sor.u32 s6, s4  }
0x8: {  	s3 =	sadd.s32 $0x400, s1;
	s28 =	sadd.s32 $0x780400, s1;
	s8 =	smul.u32 $0x1E00, s4  }
.Ltmp0:
0x9: {  	_ =	strace $0x80000047;
	s7 =	ssub.s32 $0x2, s5;
	(pc) =	sbr.rel .LBB2_1-.Ltmp0, $4  }
0xa: {  	[dreg:$0x3] =	wrdreg s28;
	s29 =	sshrl.u32 s7, $0x1;
	s6 =	sadd.s32 s3, s8  }
0xb: {  	s5 =	sadd.s32 $0xF00400, s1;
	s1 =	ssub.s32 s7, s29;
	s30 =	sadd.s32 $0x100, s6  }
0xc: {  	v0 =	vlaneseq.u32;
	s9 =	sshll.u32 s4, $0x4;
	s31 =	sadd.s32 $0x200, s6;
	[dreg:$0x4] =	wrdreg s30  }
0xd: {  	v1 =	vimm.s32 $0x0;
	v2 =	vmul.u32 $0x80, v0;
	s9 =	sadd.s32 s0, s9;
	s10 =	smax.u32 s1, $0x1;
	[dreg:$0x5] =	wrdreg s31  }
.LBB2_23:
0xe: {  	s21 =	sadd.s32 $0x1, s21  }
0xf: {  	p0 =	sne.s32 s21, s10  }
.Ltmp1:
0x10: {  	_ = 	snop;
	(pc) =	sbr.rel @!p0 .LBB2_24-.Ltmp1, $1  }
0x11: {  	_ =	sdelay $0x3  }
.LBB2_1:
0x12: {  	s0 =	simm.s32 $0x1A00;
	s24 =	smulhi.u32 $0xCCCCCCCD, s2  }
0x13: {  	[tilespmem:s0], [sflag:$0x1] =	stream.strided.gather [hbm4b:s6+s11], $0x5000, s12, s11, $0x38;
	[tilespmem:$0x18A00] =	vst v63  }
0x14: {  	s13 =	smul.u32 $0xCD, s2;
	s0 =	sshrl.u32 s24, $0x2  }
0x15: {  	s1 =	rddreg [dreg:$0x4];
	s7 =	simm.s32 $0x6A00;
	s25 =	smul.u32 $0x50, s0  }
0x16: {  	[tilespmem:s7], [sflag:$0x2] =	stream.strided.gather [hbm4b:s1+s11], $0x5000, s12, s11, $0x38;
	[tilespmem:$0x18A00] =	vst v63  }
0x17: {  	s1 =	ssub.s32 $0x0, s25  }
0x18: {  	s13 =	sshrl.u32 s13, $0x3;
	v3 =	vmov s1  }
0x19: {  	s31 =	rddreg [dreg:$0x5];
	s8 =	simm.s32 $0xBA00;
	s26 =	sand.u32 $0x1F80, s13;
	v4 =	vor.u32 s1, v0;
	v3 =	vand.u32 $0xFFFFFF80, v3  }
0x1a: {  	[tilespmem:s8], [sflag:$0x3] =	stream.strided.gather [hbm4b:s31+s11], $0x5000, s12, s11, $0x38;
	v4 =	vand.u32 $0x7F, v4;
	v3 =	vadd.s32 s26, v3;
	[tilespmem:$0x18A00] =	vst v63  }
0x1b: {  	v3 =	vor.u32 v4, v3  }
0x1c: {  	[tilespmem:s2], [sflag:$0xB] =	stream.linear.gather [hbm4b:s9+s2], $0x1000, $0x38;
	[tilespmem:$0x18A00] =	vst v63  }
0x1d: {  	_ =	swait.ge [sflag:s16], $0x1000  }
0x1e: {  	[sflag:s16] =	ssyncset.done $0x0  }
0x1f: {  	[sflag:s16] =	ssyncadd.s32 $0xFFFFF000  }
0x20: {  	v3 =	vld.idx.msk [tilespmem:v3+s2+$0x0], $0xffff;
	_ =	sdelay $0x4  }
0x21: {  	s22 =	simm.s32 $0x1;
	vm0 =	veq.s32 v3, $0x9  }
0x22: {  	s7 =	smulhi.u32 $0xCCCCCCCD, s22;
	v3 =	vsel vm0, $0x1, v1  }
0x23: {  	(xrf0) =	vadd.scan.msk.s32 $0xffff, v3  }
0x24: {  	s14 =	smul.u32 $0x30, s0;
	s24 =	sshrl.u32 s7, $0x2  }
0x25: {  	s1 =	smul.u32 $0x50, s24  }
0x26: {  	s8 =	smul.u32 $0xCD, s22  }
0x27: {  	s1 =	ssub.s32 $0x10, s1  }
0x28: {  	s0 =	smul.u32 $0x5, s0;
	s23 =	sadd.s32 $0x0, s14;
	s15 =	sshrl.u32 s8, $0x3;
	v4 =	vor.u32 s1, v0;
	v3 =	vmov s1  }
0x29: {  	s25 =	simm.s32 $0xFFFFFFFF;
	v6 =	vmov s23;
	v4 =	vand.u32 $0x7F, v4;
	s1 =	sand.u32 $0x1F80, s15;
	v3 =	vand.u32 $0xFFFFFF80, v3;
	v5, _, _ =	vpop (xrf0)  }
0x2a: {  	p0 =	seq.s32 s0, $0x0;
	v3 =	vadd.s32 s1, v3;
	s1 =	simm.s32 $0x0;
	v7 =	vadd.s32 s25, v5;
	(v2sf) =	vpush v5, $0xF  }
0x2b: {  	v3 =	vor.u32 v4, v3;
	s1 =	simm.s32 @p0 $0x0;
	v4 =	vshll.u32 v6, $0x7  }
0x2c: {  	s26 =	sadd.s32 $0xFFFFFFFF, s1;
	v4 =	vor.u32 v2, v4  }
0x2d: {  	v4 =	vadd.s32 s26, v4  }
0x2e: {  	v4 =	vadd.s32 v5, v4  }
0x2f: {  	[tilespmem:v7+s17+$0x0] =	vst.idx.msk vm0, v4  }
0x30: {  	v3 =	vld.idx.msk [tilespmem:v3+s2+$0x0], $0xffff;
	_ =	sdelay $0x2  }
0x31: {  	s23 =	simm.s32 $0x2  }
0x32: {  	s31 =	smulhi.u32 $0xCCCCCCCD, s23  }
0x33: {  	s29 =	simm.s32 $0x3;
	s28 =	simm.s32 $0x0;
	vm0 =	veq.s32 v3, $0x9  }
0x34: {  	s30 =	simm.s32 $0x10;
	s26 =	simm.s32 $0x10;
	s25 =	sshrl.u32 s31, $0x2;
	v3 =	vsel vm0, $0x1, v1  }
.LBB2_2:
0x35: {  	p0 =	sne.s32 s29, $0x9F  }
0x36: {  	s0 =	smul.u32 $0x50, s25;
	(xrf0) =	vadd.scan.msk.s32 $0xffff, v3;
	s13 =	smov.u32 s29;
	s29 =	sadd.s32 $0x1, s29  }
0x37: {  	s14 =	smul.u32 $0xCD, s23;
	s26 =	sadd.s32 $0x10, s26;
	s31 =	spop (v2sf)  }
0x38: {  	s15 =	smul.u32 $0x30, s24;
	s0 =	ssub.s32 s26, s0;
	s28 =	sadd.s32 s28, s31  }
0x39: {  	s1 =	sadd.s32 s1, s31;
	v3 =	vmov s0;
	v4 =	vor.u32 s0, v0;
	s0 =	sshrl.u32 s14, $0x3;
	s14 =	smul.u32 $0x5, s24  }
0x3a: {  	s15 =	sadd.s32 s15, s30;
	s31 =	sadd.s32 $0xFFFFFFFF, s28;
	v3 =	vand.u32 $0xFFFFFF80, v3;
	v4 =	vand.u32 $0x7F, v4;
	s0 =	sand.u32 $0x1F80, s0  }
0x3b: {  	v3 =	vadd.s32 s0, v3;
	p1 =	seq.s32 s14, s22;
	s22 =	smov.u32 s23;
	s23 =	smov.u32 s13  }
0x3c: {  	s30 =	smov.u32 s26;
	s24 =	smov.u32 s25;
	v3 =	vor.u32 v4, v3;
	s1 =	simm.s32 @p1 $0x0;
	v4 =	vmov s15;
	v5, _, _ =	vpop (xrf0)  }
0x3d: {  	s0 =	sadd.s32 $0xFFFFFFFF, s1;
	v4 =	vshll.u32 v4, $0x7;
	v6 =	vadd.s32 s31, v5;
	(v2sf) =	vpush v5, $0xF  }
0x3e: {  	v4 =	vor.u32 v2, v4  }
0x3f: {  	v4 =	vadd.s32 s0, v4  }
0x40: {  	v4 =	vadd.s32 v5, v4;
	_ =	sdelay $0x1  }
0x41: {  	s0 =	simm.s32 $0x0;
	[tilespmem:v6+s17+$0x0] =	vst.idx.msk vm0, v4  }
0x42: {  	v3 =	vld.idx.msk [tilespmem:v3+s0+$0x0], $0xffff;
	_ =	sdelay $0x2  }
.Ltmp2:
0x43: {  	(pc) =	sbr.rel @p0 .LBB2_2-.Ltmp2, $4  }
0x44: {  	_ = 	snop  }
0x45: {  	s13 =	smulhi.u32 $0xCCCCCCCD, s23  }
0x46: {  	vm0 =	veq.s32 v3, $0x9  }
0x47: {  	s25 =	sshrl.u32 s13, $0x2;
	v3 =	vsel vm0, $0x1, v1  }
0x48: {  	(xrf0) =	vadd.scan.msk.s32 $0xffff, v3  }
0x49: {  	s13 =	smul.u32 $0x50, s25  }
0x4a: {  	s14 =	smul.u32 $0xCD, s23  }
0x4b: {  	s15 =	sadd.s32 $0x10, s26;
	s29 =	smul.u32 $0x30, s24  }
0x4c: {  	s31 =	smul.u32 $0x5, s24;
	s26 =	spop (v2sf);
	s13 =	ssub.s32 s15, s13  }
0x4d: {  	s28 =	sadd.s32 s28, s26;
	s14 =	sshrl.u32 s14, $0x3;
	s7 =	sadd.s32 s29, s30;
	v3 =	vmov s13  }
0x4e: {  	v4 =	vor.u32 s13, v0;
	s13 =	sand.u32 $0x1F80, s14;
	s8 =	sadd.s32 $0xFFFFFFFF, s28;
	v6 =	vmov s7;
	v3 =	vand.u32 $0xFFFFFF80, v3;
	v5, _, _ =	vpop (xrf0)  }
0x4f: {  	s1 =	sadd.s32 s1, s26;
	p0 =	seq.s32 s31, s22;
	v4 =	vand.u32 $0x7F, v4;
	v3 =	vadd.s32 s13, v3;
	v7 =	vadd.s32 s8, v5  }
0x50: {  	s1 =	simm.s32 @p0 $0x0;
	v61 =	vshll.u32 v6, $0x7;
	v3 =	vor.u32 v4, v3  }
0x51: {  	s22 =	sadd.s32 $0xFFFFFFFF, s1;
	v4 =	vor.u32 v2, v61  }
0x52: {  	v4 =	vadd.s32 s22, v4  }
0x53: {  	v4 =	vadd.s32 v5, v4  }
0x54: {  	[tilespmem:v7+s17+$0x0] =	vst.idx.msk vm0, v4  }
0x55: {  	v3 =	vld.idx.msk [tilespmem:v3+s0+$0x0], $0xffff;
	_ =	sdelay $0x4  }
0x56: {  	vm15 =	veq.s32 v3, $0x9  }
0x57: {  	v3 =	vsel vm15, $0x1, v1  }
0x58: {  	(v2sf) =	vpush v5, $0xF;
	(xrf0) =	vadd.scan.msk.s32 $0xffff, v3;
	_ =	sdelay $0x5  }
0x59: {  	v3, _, _ =	vpop (xrf0)  }
0x5a: {  	(v2sf) =	vpush v3, $0xF;
	_ =	sdelay $0x7  }
0x5b: {  	s26 =	smul.u32 $0x30, s25;
	s24 =	spop (v2sf)  }
0x5c: {  	s29 =	smul.u32 $0x5, s25;
	s28 =	sadd.s32 s28, s24  }
0x5d: {  	s14 =	sadd.s32 s26, s15;
	s30 =	sadd.s32 $0xFFFFFFFF, s28  }
0x5e: {  	p0 =	seq.s32 s29, s23;
	v62 =	vmov s14;
	s1 =	sadd.s32 s1, s24;
	v63 =	vadd.s32 s30, v3  }
.Ltmp3:
0x5f: {  	v4 =	vshll.u32 v62, $0x7;
	s1 =	simm.s32 @p0 $0x0;
	(pc) =	sbr.rel .LBB2_4-.Ltmp3, $4  }
0x60: {  	v4 =	vor.u32 v2, v4;
	s1 =	sadd.s32 $0xFFFFFFFF, s1  }
0x61: {  	v4 =	vadd.s32 s1, v4  }
0x62: {  	v3 =	vadd.s32 v3, v4;
	s31 =	spop (v2sf)  }
0x63: {  	[tilespmem:v63+s17+$0x0] =	vst.idx.msk vm15, v3;
	s22 =	sadd.s32 s28, s31  }
.LBB2_6:
0x64: {  	s1 =	smul.u32 $0xAB, s0;
	_ =	sdelay $0x1  }
0x65: {  	s1 =	sshrl.u32 s1, $0x9  }
0x66: {  	s1 =	sand.u32 $0x7F, s1  }
0x67: {  	s14 =	sand.u32 $0x3, s0;
	s13 =	smul.u32 $0x3, s1  }
0x68: {  	s23 =	smul.u32 $0x14000, s14  }
0x69: {  	s1 =	sadd.s32 s1, s4;
	s13 =	ssub.s32 s0, s13;
	s0 =	sadd.s32 $0x1, s0  }
0x6a: {  	s1 =	smul.u32 $0xF000, s1;
	s13 =	sand.u32 $0xFF, s13;
	p0 =	sne.s32 s0, $0x60  }
.Ltmp4:
0x6b: {  	s15 =	sadd.s32 $0x1, s14;
	s13 =	sshll.u32 s13, $0xB;
	(pc) =	sbr.rel @!p0 .LBB2_7-.Ltmp4, $4  }
0x6c: {  	s14 =	sadd.s32 $0x5, s14;
	_ =	swait.ge [sflag:s15], $0x5000;
	s1 =	sadd.s32 s13, s1  }
0x6d: {  	[sflag:s15] =	ssyncset.done $0x0;
	s31 =	sshrl.u32 s23, $0x2;
	s1 =	sshrl.u32 s1, $0x3  }
0x6e: {  	[sflag:s15] =	ssyncadd.s32 $0xFFFFB000;
	s13 =	sadd.s32 $0x1A00, s31;
	s1 =	sadd.s32 s5, s1  }
0x6f: {  	[hbm4b:s1+s11] =	stream.strided.scatter [tilespmem:s13], [sflag:s14], $0x5000, s12, s11, $0x38;
	[tilespmem:$0x18A00] =	vst v63  }
.LBB2_4:
0x70: {  	p0 =	seq.s32 s0, $0x0  }
0x71: {  	p1 =	sgt.u32 @!p0 s0, $0x5C  }
0x72: {  	s1 =	sadd.s32 @!p0 $0xFFFFFFFF, s0;
	p1 =	por p0, !p1  }
.Ltmp5:
0x73: {  	s1 =	sand.u32 @!p0 $0x3, s1;
	(pc) =	sbr.rel @!p1 .LBB2_6-.Ltmp5, $4  }
0x74: {  	s13 =	sadd.s32 @!p0 $0x5, s1  }
0x75: {  	_ =	swait.ge @!p0 [sflag:s13], $0x5000  }
0x76: {  	[sflag:s13] =	ssyncset.done @!p0 $0x0  }
0x77: {  	[sflag:s13] =	ssyncadd.s32 @!p0 $0xFFFFB000  }
0x78: {  	s13 =	sadd.s32 $0x3, s0  }
0x79: {  	s14 =	smul.u32 $0xAB, s13;
	_ =	sdelay $0x1  }
0x7a: {  	s14 =	sshrl.u32 s14, $0x9  }
0x7b: {  	s14 =	sand.u32 $0x7F, s14  }
0x7c: {  	s15 =	smul.u32 $0x3, s14  }
0x7d: {  	s1 =	simm.s32 @p0 $0x3  }
0x7e: {  	s30 =	smul.u32 $0x14000, s1;
	s14 =	sadd.s32 s14, s4;
	s13 =	ssub.s32 s13, s15  }
0x7f: {  	s14 =	smul.u32 $0xF000, s14;
	s13 =	sand.u32 $0xFF, s13  }
.Ltmp6:
0x80: {  	s13 =	sshll.u32 s13, $0xB;
	(pc) =	sbr.rel .LBB2_6-.Ltmp6, $4  }
0x81: {  	s13 =	sadd.s32 s13, s14  }
0x82: {  	s31 =	sshrl.u32 s30, $0x2;
	s13 =	sshrl.u32 s13, $0x3  }
0x83: {  	s1 =	sadd.s32 $0x1, s1;
	s14 =	sadd.s32 $0x1A00, s31;
	s13 =	sadd.s32 s3, s13  }
0x84: {  	[tilespmem:s14], [sflag:s1] =	stream.strided.gather [hbm4b:s13+s11], $0x5000, s12, s11, $0x38;
	[tilespmem:$0x18A00] =	vst v63  }
.LBB2_7:
0x85: {  	s0 =	sadd.s32 $0xF, s22  }
0x86: {  	s1 =	sand.u32 $0xF, s0  }
0x87: {  	s13 =	sshra.s32 s0, $0x1F;
	p0 =	slt.s32 s0, $0x1;
	p1 =	sne.s32 s1, $0x0  }
0x88: {  	s31 =	sshrl.u32 s13, $0x1C;
	p0 =	por !p0, !p1  }
0x89: {  	s1 =	simm.s32 $0x1;
	s0 =	sadd.s32 s31, s0;
	p0 =	por !p0, !p0  }
0x8a: {  	s0 =	sshra.s32 s0, $0x4;
	s1 =	simm.s32 @!p0 $0x0  }
0x8b: {  	s23 =	ssub.s32 s0, s1  }
0x8c: {  	p0 =	slt.s32 s23, $0x1  }
.Ltmp7:
0x8d: {  	_ = 	snop;
	(pc) =	sbr.rel @!p0 .LBB2_8-.Ltmp7, $4  }
.Ltmp8:
0x8e: {  	_ = 	snop;
	(pc) =	sbr.rel @p0 .LBB2_23-.Ltmp8, $4  }
0x8f: {  	_ =	swait.ge [sflag:s18], $0x5000  }
0x90: {  	s24 =	simm.s32 $0x0;
	s25 =	simm.s32 $0x0;
	[sflag:s18] =	ssyncset.done $0x0  }
0x91: {  	s26 =	smov.u32 s22;
	s28 =	simm.s32 $0x0;
	[sflag:s18] =	ssyncadd.s32 $0xFFFFB000  }
0x92: {  	_ = 	snop  }
.LBB2_21:
0x93: {  	[sflag:s20] =	ssyncadd.s32 $0xFFFFFD00  }
.LBB2_22:
0x94: {  	s28 =	sadd.s32 $0x1, s28  }
0x95: {  	p0 =	sne.s32 s28, s23  }
.Ltmp9:
0x96: {  	_ = 	snop;
	(pc) =	sbr.rel @!p0 .LBB2_23-.Ltmp9, $2  }
0x97: {  	_ =	sdelay $0x2  }
0x98: {  	s26 =	sadd.s32 $0xFFFFFFF0, s26;
	s25 =	sadd.s32 $0x10, s25  }
.LBB2_8:
0x99: {  	s0 =	sshll.u32 s28, $0x4  }
0x9a: {  	s0 =	ssub.s32 s22, s0  }
0x9b: {  	p0 =	slt.s32 s0, $0x1  }
.Ltmp10:
0x9c: {  	_ = 	snop;
	(pc) =	sbr.rel @p0 .LBB2_22-.Ltmp10, $1  }
0x9d: {  	_ =	sdelay $0x3  }
0x9e: {  	p0 =	sgt.s32 s26, $0x1;
	s0 =	smov.u32 s26  }
0x9f: {  	s0 =	simm.s32 @!p0 $0x1  }
0xa0: {  	s29 =	smin.u32 s0, $0x10  }
0xa1: {  	s30 =	sshll.u32 s29, $0x7  }
0xa2: {  	p1 =	sne.s32 s30, $0x80  }
.Ltmp11:
0xa3: {  	_ = 	snop;
	(pc) =	sbr.rel @!p1 .LBB2_10-.Ltmp11, $3  }
0xa4: {  	_ =	sdelay $0x1  }
0xa5: {  	s15 =	sadd.s32 $0x0, s25  }
0xa6: {  	s31 =	simm.s32 $0x80;
	v3 =	vmov s15;
	p0 =	por $0x0, $0x0  }
0xa7: {  	_ =	sdelay $0x3  }
0xa8: {  	v3 =	vld.idx.msk [tilespmem:v3+s17+$0x0], $0xffff;
	_ =	sdelay $0x4  }
0xa9: {  	v3 =	vxor.u32 $0x80000000, v3  }
0xaa: {  	(xrf0) =	vmax.scan.msk.u32 $0xffff, v3;
	_ =	sdelay $0x5  }
0xab: {  	v3, _, _ =	vpop (xrf0)  }
0xac: {  	(v2sf) =	vpush v3, $0xF;
	_ =	sdelay $0xe  }
0xad: {  	s0 =	spop (v2sf)  }
0xae: {  	s1 =	sshra.s32 s0, $0xE;
	s13 =	sshrl.u32 s0, $0x3  }
0xaf: {  	s1 =	sxor.u32 $0xE0000, s1;
	s13 =	sand.u32 $0xF, s13  }
0xb0: {  	s1 =	sadd.s32 s4, s1;
	s13 =	smul.u32 $0x1800, s13  }
0xb1: {  	s14 =	simm.s32 $0x0;
	s1 =	smul.u32 $0xF000, s1  }
0xb2: {  	s14 =	smul.u32 $0x6000, s14;
	s0 =	sshll.u32 s0, $0x7  }
0xb3: {  	s0 =	sand.u32 $0x380, s0;
	s1 =	sadd.s32 s13, s1  }
0xb4: {  	s15 =	sand.u32 $0x380, s24;
	s14 =	sshra.s32 s14, $0x2;
	s0 =	sor.u32 s0, s1  }
0xb5: {  	s8 =	rddreg [dreg:$0x3];
	s7 =	sor.u32 s15, s14;
	s0 =	sshrl.u32 s0, $0x3  }
0xb6: {  	p1 =	sne.s32 s30, $0x100;
	s14 =	sadd.s32 $0x15A00, s7;
	s13 =	sadd.s32 s8, s0  }
0xb7: {  	[tilespmem:s14], [sflag:$0x9] =	stream.linear.gather [hbm4b:s13+s2], $0x80, $0x38;
	[tilespmem:$0x18A00] =	vst v63  }
0xb8: {  	p0 =	por $0x1, $0x1;
	s1 =	sadd.s32 $0x400, s14;
	s0 =	sadd.s32 $0x80, s13  }
0xb9: {  	[tilespmem:s1], [sflag:$0x9] =	stream.linear.gather [hbm4b:s0+s2], $0x80, $0x38;
	[tilespmem:$0x18A00] =	vst v63  }
0xba: {  	s15 =	sadd.s32 $0x800, s14;
	s7 =	sadd.s32 $0xC00, s14;
	s8 =	sadd.s32 $0x100, s13  }
0xbb: {  	[tilespmem:s15], [sflag:$0x9] =	stream.linear.gather [hbm4b:s8+s2], $0x80, $0x38;
	[tilespmem:$0x18A00] =	vst v63  }
.Ltmp12:
0xbc: {  	s1 =	simm.s32 $0x100;
	s0 =	simm.s32 $0x1;
	(pc) =	sbr.rel @!p1 .LBB2_13-.Ltmp12, $4  }
0xbd: {  	s8 =	sadd.s32 $0x180, s13;
	s15 =	sadd.s32 $0x200, s13;
	s13 =	sadd.s32 $0x280, s13  }
0xbe: {  	[tilespmem:s7], [sflag:$0x9] =	stream.linear.gather [hbm4b:s8+s2], $0x80, $0x38;
	[tilespmem:$0x18A00] =	vst v63  }
0xbf: {  	s7 =	sadd.s32 $0x1000, s14;
	s8 =	sadd.s32 $0x1, s25;
	s14 =	sadd.s32 $0x1400, s14  }
0xc0: {  	v3 =	vmov s8;
	[tilespmem:s7], [sflag:$0x9] =	stream.linear.gather [hbm4b:s15+s2], $0x80, $0x38;
	[tilespmem:$0x18A00] =	vst v63  }
.LBB2_12:
0xc1: {  	_ =	sdelay $0x2  }
0xc2: {  	[tilespmem:s14], [sflag:$0x9] =	stream.linear.gather [hbm4b:s13+s2], $0x80, $0x38;
	[tilespmem:$0x18A00] =	vst v63  }
0xc3: {  	v3 =	vld.idx.msk [tilespmem:v3+s17+$0x0], $0xffff;
	_ =	sdelay $0x4  }
0xc4: {  	v3 =	vxor.u32 $0x80000000, v3  }
0xc5: {  	(xrf0) =	vmax.scan.msk.u32 $0xffff, v3;
	_ =	sdelay $0x5  }
0xc6: {  	v3, _, _ =	vpop (xrf0)  }
0xc7: {  	(v2sf) =	vpush v3, $0xF;
	_ =	sdelay $0xe  }
0xc8: {  	s8 =	spop (v2sf)  }
0xc9: {  	s15 =	sshra.s32 s8, $0xE;
	s7 =	sshrl.u32 s8, $0x3  }
0xca: {  	s15 =	sxor.u32 $0xE0000, s15;
	s7 =	sand.u32 $0xF, s7  }
0xcb: {  	s15 =	sadd.s32 s4, s15;
	s7 =	smul.u32 $0x1800, s7  }
0xcc: {  	s14 =	sshll.u32 s8, $0x7;
	s8 =	sshrl.u32 s0, $0x3;
	s15 =	smul.u32 $0xF000, s15  }
0xcd: {  	s13 =	smov.u32 s1;
	s8 =	smul.u32 $0x6000, s8  }
0xce: {  	s1 =	sadd.s32 $0x80, s1;
	s14 =	sand.u32 $0x380, s14;
	s7 =	sadd.s32 s7, s15  }
0xcf: {  	s31 =	sand.u32 $0x380, s31;
	s8 =	sshra.s32 s8, $0x2;
	s7 =	sor.u32 s14, s7  }
0xd0: {  	s8 =	sor.u32 s31, s8;
	s15 =	rddreg [dreg:$0x3];
	s7 =	sshrl.u32 s7, $0x3  }
0xd1: {  	p1 =	sne.s32 s30, s1;
	s8 =	sadd.s32 $0x15A00, s8;
	s7 =	sadd.s32 s15, s7  }
0xd2: {  	[tilespmem:s8], [sflag:$0x9] =	stream.linear.gather [hbm4b:s7+s2], $0x80, $0x38;
	[tilespmem:$0x18A00] =	vst v63  }
0xd3: {  	s0 =	sadd.s32 $0x1, s0;
	s15 =	sadd.s32 $0x400, s8;
	s14 =	sadd.s32 $0x80, s7  }
0xd4: {  	[tilespmem:s15], [sflag:$0x9] =	stream.linear.gather [hbm4b:s14+s2], $0x80, $0x38;
	[tilespmem:$0x18A00] =	vst v63  }
0xd5: {  	s31 =	smov.u32 s13;
	s13 =	sadd.s32 $0x100, s7;
	s14 =	sadd.s32 $0x800, s8  }
0xd6: {  	[tilespmem:s14], [sflag:$0x9] =	stream.linear.gather [hbm4b:s13+s2], $0x80, $0x38;
	[tilespmem:$0x18A00] =	vst v63  }
.Ltmp13:
0xd7: {  	s15 =	sadd.s32 $0xC00, s8;
	s14 =	sadd.s32 $0x180, s7;
	(pc) =	sbr.rel @p1 .LBB2_12-.Ltmp13, $4  }
0xd8: {  	[tilespmem:s15], [sflag:$0x9] =	stream.linear.gather [hbm4b:s14+s2], $0x80, $0x38;
	[tilespmem:$0x18A00] =	vst v63  }
0xd9: {  	s13 =	sadd.s32 s0, s25;
	s14 =	sadd.s32 $0x200, s7;
	s15 =	sadd.s32 $0x1000, s8  }
0xda: {  	[tilespmem:s15], [sflag:$0x9] =	stream.linear.gather [hbm4b:s14+s2], $0x80, $0x38;
	[tilespmem:$0x18A00] =	vst v63  }
0xdb: {  	v3 =	vmov s13;
	s13 =	sadd.s32 $0x280, s7;
	s14 =	sadd.s32 $0x1400, s8  }
.LBB2_13:
0xdc: {  	_ =	sdelay $0x2  }
0xdd: {  	[tilespmem:s14], [sflag:$0x9] =	stream.linear.gather @p0 [hbm4b:s13+s2], $0x80, $0x38;
	[tilespmem:$0x18A00] =	vst v63  }
0xde: {  	v3 =	vld.idx.msk [tilespmem:v3+s17+$0x0], $0xffff;
	_ =	sdelay $0x4  }
0xdf: {  	v3 =	vxor.u32 $0x80000000, v3  }
0xe0: {  	(xrf0) =	vmax.scan.msk.u32 $0xffff, v3;
	_ =	sdelay $0x5  }
0xe1: {  	v3, _, _ =	vpop (xrf0)  }
0xe2: {  	(v2sf) =	vpush v3, $0xF;
	_ =	sdelay $0xe  }
0xe3: {  	s1 =	spop (v2sf)  }
0xe4: {  	s7 =	sshra.s32 s1, $0xE;
	s8 =	sshrl.u32 s1, $0x3  }
0xe5: {  	s7 =	sxor.u32 $0xE0000, s7;
	s8 =	sand.u32 $0xF, s8  }
0xe6: {  	s7 =	sadd.s32 s4, s7;
	s8 =	smul.u32 $0x1800, s8  }
0xe7: {  	s0 =	sshrl.u32 s0, $0x3;
	s7 =	smul.u32 $0xF000, s7  }
0xe8: {  	s0 =	smul.u32 $0x6000, s0;
	s1 =	sshll.u32 s1, $0x7  }
0xe9: {  	s1 =	sand.u32 $0x380, s1;
	s7 =	sadd.s32 s8, s7  }
0xea: {  	s31 =	sand.u32 $0x380, s31;
	s0 =	sshra.s32 s0, $0x2;
	s1 =	sor.u32 s1, s7  }
0xeb: {  	s15 =	rddreg [dreg:$0x3];
	s0 =	sor.u32 s31, s0;
	s1 =	sshrl.u32 s1, $0x3  }
0xec: {  	s0 =	sadd.s32 $0x15A00, s0;
	s1 =	sadd.s32 s15, s1  }
0xed: {  	[tilespmem:s0], [sflag:$0x9] =	stream.linear.gather [hbm4b:s1+s2], $0x80, $0x38;
	[tilespmem:$0x18A00] =	vst v63  }
0xee: {  	s14 =	sadd.s32 $0x400, s0;
	s13 =	sadd.s32 $0x80, s1  }
0xef: {  	[tilespmem:s14], [sflag:$0x9] =	stream.linear.gather [hbm4b:s13+s2], $0x80, $0x38;
	[tilespmem:$0x18A00] =	vst v63  }
0xf0: {  	s31 =	sadd.s32 $0x800, s0;
	s15 =	sadd.s32 $0x100, s1  }
0xf1: {  	[tilespmem:s31], [sflag:$0x9] =	stream.linear.gather [hbm4b:s15+s2], $0x80, $0x38;
	[tilespmem:$0x18A00] =	vst v63  }
0xf2: {  	s13 =	sadd.s32 $0xC00, s0;
	s14 =	sadd.s32 $0x180, s1  }
0xf3: {  	[tilespmem:s13], [sflag:$0x9] =	stream.linear.gather [hbm4b:s14+s2], $0x80, $0x38;
	[tilespmem:$0x18A00] =	vst v63  }
0xf4: {  	s15 =	sadd.s32 $0x200, s1;
	s31 =	sadd.s32 $0x1000, s0  }
0xf5: {  	[tilespmem:s31], [sflag:$0x9] =	stream.linear.gather [hbm4b:s15+s2], $0x80, $0x38;
	[tilespmem:$0x18A00] =	vst v63  }
0xf6: {  	s1 =	sadd.s32 $0x280, s1;
	s0 =	sadd.s32 $0x1400, s0  }
0xf7: {  	[tilespmem:s0], [sflag:$0x9] =	stream.linear.gather [hbm4b:s1+s2], $0x80, $0x38;
	[tilespmem:$0x18A00] =	vst v63  }
0xf8: {  	s0 =	smov.u32 s29  }
.LBB2_14:
0xf9: {  	p0 =	sne.s32 s0, $0x1  }
.Ltmp14:
0xfa: {  	_ = 	snop;
	(pc) =	sbr.rel @p0 .LBB2_14-.Ltmp14, $4  }
0xfb: {  	_ = 	snop  }
0xfc: {  	_ =	swait.ge [sflag:s19], $0x300  }
0xfd: {  	[sflag:s19] =	ssyncset.done $0x0  }
0xfe: {  	s0 =	sadd.s32 $0xFFFFFFFF, s0;
	[sflag:s19] =	ssyncadd.s32 $0xFFFFFD00  }
0xff: {  	p1 =	sne.s32 s30, $0x80  }
.Ltmp15:
0x100: {  	_ = 	snop;
	(pc) =	sbr.rel @!p1 .LBB2_16-.Ltmp15, $3  }
0x101: {  	_ =	sdelay $0x1  }
0x102: {  	s1 =	sadd.s32 $0x0, s25  }
0x103: {  	s0 =	simm.s32 $0x0;
	s31 =	simm.s32 $0x80;
	p0 =	por $0x0, $0x0;
	v3 =	vmov s1  }
0x104: {  	_ =	sdelay $0x3  }
0x105: {  	v3 =	vld.idx.msk [tilespmem:v3+s17+$0x0], $0xffff;
	_ =	sdelay $0x4  }
0x106: {  	v3 =	vxor.u32 $0x80000000, v3  }
0x107: {  	(xrf0) =	vmax.scan.msk.u32 $0xffff, v3;
	_ =	sdelay $0x5  }
0x108: {  	v3, _, _ =	vpop (xrf0)  }
0x109: {  	(v2sf) =	vpush v3, $0xF;
	_ =	sdelay $0xe  }
0x10a: {  	s1 =	spop (v2sf)  }
0x10b: {  	s7 =	sshra.s32 s1, $0xE;
	s8 =	sshrl.u32 s1, $0xA  }
0x10c: {  	s7 =	sxor.u32 $0xE0000, s7;
	s8 =	sand.u32 $0xF, s8  }
0x10d: {  	s7 =	sadd.s32 s4, s7;
	s8 =	smul.u32 $0x1800, s8  }
0x10e: {  	s13 =	simm.s32 $0x0;
	s7 =	smul.u32 $0xF000, s7  }
0x10f: {  	s13 =	smul.u32 $0x6000, s13  }
0x110: {  	s1 =	sand.u32 $0x380, s1;
	s7 =	sadd.s32 s8, s7  }
0x111: {  	s0 =	sand.u32 $0x380, s0;
	s15 =	sshra.s32 s13, $0x2;
	s1 =	sor.u32 s1, s7  }
0x112: {  	s0 =	sor.u32 s0, s15;
	s1 =	sshrl.u32 s1, $0x3  }
0x113: {  	s8 =	sadd.s32 $0x15A00, s0;
	s7 =	sadd.s32 s5, s1  }
0x114: {  	[hbm4b:s7+s2] =	stream.linear.scatter [tilespmem:s8], [sflag:$0xA], $0x80, $0x38;
	[tilespmem:$0x18A00] =	vst v63  }
0x115: {  	s0 =	sadd.s32 $0x400, s8;
	s1 =	sadd.s32 $0x80, s7  }
0x116: {  	[hbm4b:s1+s2] =	stream.linear.scatter [tilespmem:s0], [sflag:$0xA], $0x80, $0x38;
	[tilespmem:$0x18A00] =	vst v63  }
0x117: {  	s13 =	sadd.s32 $0x100, s7;
	s1 =	sadd.s32 $0x800, s8  }
0x118: {  	[hbm4b:s13+s2] =	stream.linear.scatter [tilespmem:s1], [sflag:$0xA], $0x80, $0x38;
	[tilespmem:$0x18A00] =	vst v63  }
0x119: {  	p1 =	sne.s32 s30, $0x100;
	s14 =	sadd.s32 $0xC00, s8;
	s15 =	sadd.s32 $0x180, s7  }
0x11a: {  	[hbm4b:s15+s2] =	stream.linear.scatter [tilespmem:s14], [sflag:$0xA], $0x80, $0x38;
	[tilespmem:$0x18A00] =	vst v63  }
.Ltmp16:
0x11b: {  	s15 =	sadd.s32 $0x1, s25;
	(pc) =	sbr.rel @!p1 .LBB2_19-.Ltmp16, $4  }
0x11c: {  	p0 =	por $0x1, $0x1;
	v3 =	vmov s15  }
0x11d: {  	s0 =	simm.s32 $0x1;
	s13 =	sadd.s32 $0x1000, s8;
	s14 =	sadd.s32 $0x200, s7  }
0x11e: {  	[hbm4b:s14+s2] =	stream.linear.scatter [tilespmem:s13], [sflag:$0xA], $0x80, $0x38;
	[tilespmem:$0x18A00] =	vst v63  }
0x11f: {  	s1 =	simm.s32 $0x100;
	s13 =	sadd.s32 $0x1400, s8;
	s14 =	sadd.s32 $0x280, s7  }
.LBB2_18:
0x120: {  	[hbm4b:s14+s2] =	stream.linear.scatter [tilespmem:s13], [sflag:$0xA], $0x80, $0x38;
	[tilespmem:$0x18A00] =	vst v63  }
0x121: {  	s7 =	smov.u32 s1;
	s1 =	sadd.s32 $0x80, s1;
	v3 =	vld.idx.msk [tilespmem:v3+s17+$0x0], $0xffff  }
0x122: {  	p1 =	sne.s32 s30, s1;
	_ =	sdelay $0x4  }
0x123: {  	v3 =	vxor.u32 $0x80000000, v3  }
0x124: {  	(xrf0) =	vmax.scan.msk.u32 $0xffff, v3;
	_ =	sdelay $0x5  }
0x125: {  	v3, _, _ =	vpop (xrf0)  }
0x126: {  	(v2sf) =	vpush v3, $0xF;
	_ =	sdelay $0xe  }
0x127: {  	s8 =	spop (v2sf)  }
0x128: {  	s13 =	sshra.s32 s8, $0xE;
	s14 =	sshrl.u32 s8, $0xA  }
0x129: {  	s13 =	sxor.u32 $0xE0000, s13;
	s14 =	sand.u32 $0xF, s14  }
0x12a: {  	s13 =	sadd.s32 s4, s13;
	s14 =	smul.u32 $0x1800, s14  }
0x12b: {  	s15 =	sshrl.u32 s0, $0x3;
	s13 =	smul.u32 $0xF000, s13  }
0x12c: {  	s15 =	smul.u32 $0x6000, s15  }
0x12d: {  	s8 =	sand.u32 $0x380, s8;
	s13 =	sadd.s32 s14, s13  }
0x12e: {  	s14 =	sshra.s32 s15, $0x2;
	s8 =	sor.u32 s8, s13;
	s13 =	sand.u32 $0x380, s31  }
0x12f: {  	s31 =	smov.u32 s7;
	s8 =	sshrl.u32 s8, $0x3;
	s13 =	sor.u32 s13, s14  }
0x130: {  	s7 =	sadd.s32 s5, s8;
	s8 =	sadd.s32 $0x15A00, s13  }
0x131: {  	[hbm4b:s7+s2] =	stream.linear.scatter [tilespmem:s8], [sflag:$0xA], $0x80, $0x38;
	[tilespmem:$0x18A00] =	vst v63  }
0x132: {  	s0 =	sadd.s32 $0x1, s0;
	s13 =	sadd.s32 $0x400, s8;
	s14 =	sadd.s32 $0x80, s7  }
0x133: {  	[hbm4b:s14+s2] =	stream.linear.scatter [tilespmem:s13], [sflag:$0xA], $0x80, $0x38;
	[tilespmem:$0x18A00] =	vst v63  }
0x134: {  	s15 =	sadd.s32 $0xC00, s8;
	s13 =	sadd.s32 $0x800, s8;
	s14 =	sadd.s32 $0x100, s7  }
0x135: {  	[hbm4b:s14+s2] =	stream.linear.scatter [tilespmem:s13], [sflag:$0xA], $0x80, $0x38;
	[tilespmem:$0x18A00] =	vst v63  }
.Ltmp17:
0x136: {  	s13 =	sadd.s32 s0, s25;
	s14 =	sadd.s32 $0x180, s7;
	(pc) =	sbr.rel @p1 .LBB2_18-.Ltmp17, $4  }
0x137: {  	v3 =	vmov s13;
	[hbm4b:s14+s2] =	stream.linear.scatter [tilespmem:s15], [sflag:$0xA], $0x80, $0x38;
	[tilespmem:$0x18A00] =	vst v63  }
0x138: {  	s13 =	sadd.s32 $0x1000, s8;
	s14 =	sadd.s32 $0x200, s7  }
0x139: {  	[hbm4b:s14+s2] =	stream.linear.scatter [tilespmem:s13], [sflag:$0xA], $0x80, $0x38;
	[tilespmem:$0x18A00] =	vst v63  }
0x13a: {  	s13 =	sadd.s32 $0x1400, s8;
	s14 =	sadd.s32 $0x280, s7  }
.LBB2_19:
0x13b: {  	_ =	sdelay $0x2  }
0x13c: {  	[hbm4b:s14+s2] =	stream.linear.scatter @p0 [tilespmem:s13], [sflag:$0xA], $0x80, $0x38;
	[tilespmem:$0x18A00] =	vst v63  }
0x13d: {  	v3 =	vld.idx.msk [tilespmem:v3+s17+$0x0], $0xffff;
	_ =	sdelay $0x4  }
0x13e: {  	v3 =	vxor.u32 $0x80000000, v3  }
0x13f: {  	(xrf0) =	vmax.scan.msk.u32 $0xffff, v3;
	_ =	sdelay $0x5  }
0x140: {  	v3, _, _ =	vpop (xrf0)  }
0x141: {  	(v2sf) =	vpush v3, $0xF;
	_ =	sdelay $0xe  }
0x142: {  	s1 =	spop (v2sf)  }
0x143: {  	s7 =	sshra.s32 s1, $0xE;
	s8 =	sshrl.u32 s1, $0xA  }
0x144: {  	s7 =	sxor.u32 $0xE0000, s7;
	s8 =	sand.u32 $0xF, s8  }
0x145: {  	s7 =	sadd.s32 s4, s7;
	s8 =	smul.u32 $0x1800, s8  }
0x146: {  	s0 =	sshrl.u32 s0, $0x3;
	s7 =	smul.u32 $0xF000, s7  }
0x147: {  	s0 =	smul.u32 $0x6000, s0  }
0x148: {  	s1 =	sand.u32 $0x380, s1;
	s7 =	sadd.s32 s8, s7  }
0x149: {  	s15 =	sand.u32 $0x380, s31;
	s0 =	sshra.s32 s0, $0x2;
	s1 =	sor.u32 s1, s7  }
0x14a: {  	s0 =	sor.u32 s15, s0;
	s1 =	sshrl.u32 s1, $0x3  }
0x14b: {  	s0 =	sadd.s32 $0x15A00, s0;
	s1 =	sadd.s32 s5, s1  }
0x14c: {  	[hbm4b:s1+s2] =	stream.linear.scatter [tilespmem:s0], [sflag:$0xA], $0x80, $0x38;
	[tilespmem:$0x18A00] =	vst v63  }
0x14d: {  	s30 =	sadd.s32 $0x400, s0;
	s31 =	sadd.s32 $0x80, s1  }
0x14e: {  	[hbm4b:s31+s2] =	stream.linear.scatter [tilespmem:s30], [sflag:$0xA], $0x80, $0x38;
	[tilespmem:$0x18A00] =	vst v63  }
0x14f: {  	s8 =	sadd.s32 $0x800, s0;
	s13 =	sadd.s32 $0x100, s1  }
0x150: {  	[hbm4b:s13+s2] =	stream.linear.scatter [tilespmem:s8], [sflag:$0xA], $0x80, $0x38;
	[tilespmem:$0x18A00] =	vst v63  }
0x151: {  	s14 =	sadd.s32 $0xC00, s0;
	s15 =	sadd.s32 $0x180, s1  }
0x152: {  	[hbm4b:s15+s2] =	stream.linear.scatter [tilespmem:s14], [sflag:$0xA], $0x80, $0x38;
	[tilespmem:$0x18A00] =	vst v63  }
0x153: {  	p0 =	sne.s32 s29, $0x1;
	s30 =	sadd.s32 $0x1000, s0;
	s31 =	sadd.s32 $0x200, s1  }
0x154: {  	[hbm4b:s31+s2] =	stream.linear.scatter [tilespmem:s30], [sflag:$0xA], $0x80, $0x38;
	[tilespmem:$0x18A00] =	vst v63  }
.Ltmp18:
0x155: {  	_ = 	snop;
	(pc) =	sbr.rel @!p0 .LBB2_21-.Ltmp18, $4  }
0x156: {  	s0 =	sadd.s32 $0x1400, s0;
	s1 =	sadd.s32 $0x280, s1  }
0x157: {  	[hbm4b:s1+s2] =	stream.linear.scatter [tilespmem:s0], [sflag:$0xA], $0x80, $0x38;
	[tilespmem:$0x18A00] =	vst v63  }
0x158: {  	_ =	swait.ge [sflag:s20], $0x300  }
0x159: {  	s0 =	sadd.s32 $0xFFFFFFFF, s29;
	[sflag:s20] =	ssyncset.done $0x0  }
.LBB2_20:
0x15a: {  	p0 =	sne.s32 s0, $0x1;
	s0 =	sadd.s32 $0xFFFFFFFF, s0;
	[sflag:s20] =	ssyncadd.s32 $0xFFFFFD00  }
.Ltmp19:
0x15b: {  	(pc) =	sbr.rel @p0 .LBB2_20-.Ltmp19, $3  }
0x15c: {  	_ =	sdelay $0x1  }
0x15d: {  	_ =	swait.ge [sflag:s20], $0x300  }
0x15e: {  	[sflag:s20] =	ssyncset.done $0x0  }
.Ltmp20:
0x15f: {  	_ = 	snop;
	(pc) =	sbr.rel .LBB2_21-.Ltmp20, $1  }
0x160: {  	_ =	sdelay $0x3  }
.LBB2_10:
.Ltmp21:
0x161: {  	(pc) =	sbr.rel .LBB2_13-.Ltmp21, $2  }
0x162: {  	_ =	sdelay $0x2  }
0x163: {  	s0 =	simm.s32 $0x0;
	s31 =	simm.s32 $0x0  }
.LBB2_16:
.Ltmp22:
0x164: {  	(pc) =	sbr.rel .LBB2_19-.Ltmp22, $2  }
0x165: {  	_ =	sdelay $0x2  }
0x166: {  	s31 =	simm.s32 $0x0  }
.LBB2_24:
0x167: {  	_ =	sfence.sel $0x180000  }
0x168: {  	[bflag:$0x0] =	sbarrier.arrive $0xFFFF  }
0x169: {  	_ =	strace $0x90000047  }
0x16a: {  	s0 =	stileid.u32;
	[bflag:$0x2] =	sbarrier.arrive $0xFFFF  }
0x16b: {  	p0 =	sne.s32 s0, $0x0;
	s0 =	rddreg [dreg:$0x2]  }
0x16c: {  	s0 =	sadd.s32 @!p0 $0x100000, s0  }
0x16d: {  	[sflag:s0] =	ssyncadd.tile.s32 @!p0 $0x1;
	_ =	shalt  }
.Lfunc_end2:
_tile_overlayer_lowered:
.L_overlay_start_2:
0x16e: {  	(tag) =	ssettag $0x2  }
0x16f: {  	s0 =	rddreg [dreg:$0x0];
	s2 =	stileid.u32  }
0x170: {  	s1 =	rddreg [dreg:$0x1];
	p0 =	sne.s32 s2, $0x0  }
0x171: {  	s3 =	rddreg [dreg:$0x2];
	[bflag:$0x3] =	sbarrier.arrive $0xFFFF;
	s2 =	simm.s32 @!p0 $0x1C0B  }
0x172: {  	[timem:s3], [sflag:s2] =	dma.local @!p0 [hbm:s0], s1  }
0x173: {  	s0 =	simm.s32 @!p0 $0xB  }
0x174: {  	_ =	swait.ge @!p0 [sflag:s0], s1  }
0x175: {  	s1 =	ssub.s32 @!p0 $0x0, s1;
	[sflag:s0] =	ssyncset.done @!p0 $0x0  }
0x176: {  	[sflag:s0] =	ssyncadd.s32 @!p0 s1  }
0x177: {  	[bflag:$0x3] =	sbarrier.arrive $0xFFFF  }
0x178: {  	_ =	shalt  }

</sc_bundles>
